<compile_context>
chip_gen: v7x
topology: tpu7x:2x2x1
jax: 0.10.2.dev20260603
libtpu: 0.0.44.dev20260713+nightly
codegen_flags: <defaults>
</compile_context>

<pallas_src>
import functools

import jax
import jax.numpy as jnp
from jax import lax
from jax.experimental import pallas as pl
from jax.experimental.pallas import tpu as pltpu
from jax.experimental.pallas import tpu_sc as plsc

N = 10000
E = 320000
D = 128
ALPHA = 0.5
BETA = 1.0

NC = 2
NS = 16
NW = NC * NS
CHUNK = 125
CPW = 80
HCH = CPW // 2
NPAD = 10240
ROWS_PER_TILE = NPAD // NS
ZCH = ROWS_PER_TILE // CHUNK
ZREM = ROWS_PER_TILE - ZCH * CHUNK
NBLK = 2
BLK = NPAD // NBLK



DEG_ZROWS = NPAD // NS


def _sc_deg_body(er_hbm, out_hbm, dst_v, ones_v, zv, deg_sh, dsem):
    c = lax.axis_index("c")
    s = lax.axis_index("s")
    wid = c * NS + s

    for k in range(8):
        ones_v[pl.ds(k * 16, 16)] = jnp.full((16,), 1.0, jnp.float32)
    for k in range(DEG_ZROWS // 16):
        zv[pl.ds(k * 16, 16)] = jnp.zeros((16,), jnp.float32)
    pltpu.sync_copy(er_hbm.at[1, wid], dst_v)
    pltpu.sync_copy(zv, deg_sh.at[pl.ds(s * DEG_ZROWS, DEG_ZROWS)])
    plsc.subcore_barrier()

    def body(g, carry):
        for k in range(8):
            pltpu.make_async_copy(ones_v.at[pl.ds(0, CHUNK)],
                                  deg_sh.at[dst_v.at[g * 8 + k]],
                                  dsem).start(add=True)
        for k in range(8):
            pltpu.make_async_copy(ones_v.at[pl.ds(0, CHUNK)],
                                  deg_sh.at[dst_v.at[g * 8 + k]],
                                  dsem).wait()
        return carry

    lax.fori_loop(0, CPW // 8, body, 0)
    plsc.subcore_barrier()

    @pl.when(s == 0)
    def _dump():
        pltpu.sync_copy(deg_sh, out_hbm.at[c])


def _sc_agg_body(ht_hbm, er_hbm, out_hbm,
                 src_v, dst_v, rows_v, acc_sh, gsem0, gsem1, ssem0, ssem1):
    c = lax.axis_index("c")
    s = lax.axis_index("s")
    wid = c * NS + s
    base = s * ROWS_PER_TILE

    def g_start(ch, b, sem):
        pltpu.make_async_copy(ht_hbm.at[src_v.at[ch]], rows_v.at[b],
                              sem).start()

    def g_wait(ch, b, sem):
        pltpu.make_async_copy(ht_hbm.at[src_v.at[ch]], rows_v.at[b],
                              sem).wait()

    def s_start(ch, b, sem):
        pltpu.make_async_copy(rows_v.at[b], acc_sh.at[dst_v.at[ch]],
                              sem).start(add=True)

    def s_wait(ch, b, sem):
        pltpu.make_async_copy(rows_v.at[b], acc_sh.at[dst_v.at[ch]],
                              sem).wait()

    for hh in range(CPW // HCH):
        pltpu.sync_copy(er_hbm.at[0, wid, pl.ds(hh * HCH, HCH)], src_v)
        pltpu.sync_copy(er_hbm.at[1, wid, pl.ds(hh * HCH, HCH)], dst_v)
        if hh == 0:
            g_start(1, 1, gsem1)

            def zrow_body(r, carry):
                for k in range(D // 16):
                    rows_v[0, r, pl.ds(k * 16, 16)] = jnp.zeros(
                        (16,), jnp.float32)
                return carry

            lax.fori_loop(0, CHUNK, zrow_body, 0)
            for j in range(ZCH):
                pltpu.sync_copy(rows_v.at[0],
                                acc_sh.at[pl.ds(base + j * CHUNK, CHUNK)])
            pltpu.sync_copy(rows_v.at[0, pl.ds(0, ZREM)],
                            acc_sh.at[pl.ds(base + ZCH * CHUNK, ZREM)])
            g_start(0, 0, gsem0)
            plsc.subcore_barrier()
        else:
            g_start(0, 0, gsem0)
            g_start(1, 1, gsem1)

        def body(gp, carry):
            ch0 = 2 * gp
            ch1 = ch0 + 1
            g_wait(ch0, 0, gsem0)
            s_start(ch0, 0, ssem0)
            s_wait(ch0, 0, ssem0)

            @pl.when(ch0 + 2 < HCH)
            def _g0():
                g_start(ch0 + 2, 0, gsem0)

            g_wait(ch1, 1, gsem1)
            s_start(ch1, 1, ssem1)
            s_wait(ch1, 1, ssem1)

            @pl.when(ch1 + 2 < HCH)
            def _g1():
                g_start(ch1 + 2, 1, gsem1)

            return carry

        lax.fori_loop(0, HCH // 2, body, 0)
    plsc.subcore_barrier()
    pltpu.sync_copy(acc_sh.at[pl.ds(base, ROWS_PER_TILE)],
                    out_hbm.at[c, pl.ds(base, ROWS_PER_TILE)])


_sc_mesh = plsc.VectorSubcoreMesh(core_axis_name="c", subcore_axis_name="s")

_sc_deg = functools.partial(
    pl.kernel,
    mesh=_sc_mesh,
    out_type=jax.ShapeDtypeStruct((NC, NPAD), jnp.float32),
    scratch_types=[
        pltpu.VMEM((CPW, CHUNK), jnp.int32),
        pltpu.VMEM((128,), jnp.float32),
        pltpu.VMEM((DEG_ZROWS,), jnp.float32),
        pltpu.VMEM_SHARED((NPAD,), jnp.float32),
        pltpu.SemaphoreType.DMA,
    ],
)(_sc_deg_body)

_sc_agg = functools.partial(
    pl.kernel,
    mesh=_sc_mesh,
    out_type=jax.ShapeDtypeStruct((NC, NPAD, D), jnp.float32),
    scratch_types=[
        pltpu.VMEM((HCH, CHUNK), jnp.int32),
        pltpu.VMEM((HCH, CHUNK), jnp.int32),
        pltpu.VMEM((2, CHUNK, D), jnp.float32),
        pltpu.VMEM_SHARED((NPAD, D), jnp.float32),
        pltpu.SemaphoreType.DMA,
        pltpu.SemaphoreType.DMA,
        pltpu.SemaphoreType.DMA,
        pltpu.SemaphoreType.DMA,
    ],
)(_sc_agg_body)



def _tc_lin1_body(x_ref, w1t_ref, b1_ref, degp_ref, ht_ref):
    h = jnp.dot(x_ref[...], w1t_ref[...],
                preferred_element_type=jnp.float32) + b1_ref[...]
    deg = degp_ref[0] + degp_ref[1] + BETA
    dinv = lax.rsqrt(deg)
    ht_ref[...] = h * dinv[:, None]


def _tc_out_body(ht_ref, p_ref, degp_ref, w2t_ref, b2_ref, o_ref):
    sagg = p_ref[0] + p_ref[1]
    deg = degp_ref[0] + degp_ref[1] + BETA
    dinv = lax.rsqrt(deg)
    h = ht_ref[...] * jnp.sqrt(deg)[:, None]
    agg = dinv[:, None] * sagg + (BETA * (dinv * dinv))[:, None] * h
    o = ALPHA * h + (1.0 - ALPHA) * agg
    nrm = jnp.sqrt(jnp.sum(o * o, axis=1, keepdims=True))
    o = o / jnp.maximum(nrm, 1e-12)
    o = jnp.maximum(o, 0.0)
    o_ref[...] = jnp.dot(o, w2t_ref[...],
                         preferred_element_type=jnp.float32) + b2_ref[...]


_tc_lin1 = pl.pallas_call(
    _tc_lin1_body,
    grid=(NBLK,),
    in_specs=[
        pl.BlockSpec((BLK, D), lambda i: (i, 0)),
        pl.BlockSpec((D, D), lambda i: (0, 0)),
        pl.BlockSpec((1, D), lambda i: (0, 0)),
        pl.BlockSpec((2, BLK), lambda i: (0, i)),
    ],
    out_specs=pl.BlockSpec((BLK, D), lambda i: (i, 0)),
    out_shape=jax.ShapeDtypeStruct((N, D), jnp.float32),
)

OUT_NBLK = 2
OUT_BLK = NPAD // OUT_NBLK

_tc_out = pl.pallas_call(
    _tc_out_body,
    grid=(OUT_NBLK,),
    in_specs=[
        pl.BlockSpec((OUT_BLK, D), lambda i: (i, 0)),
        pl.BlockSpec((NC, OUT_BLK, D), lambda i: (0, i, 0)),
        pl.BlockSpec((2, OUT_BLK), lambda i: (0, i)),
        pl.BlockSpec((D, D), lambda i: (0, 0)),
        pl.BlockSpec((1, D), lambda i: (0, 0)),
    ],
    out_specs=pl.BlockSpec((OUT_BLK, D), lambda i: (i, 0)),
    out_shape=jax.ShapeDtypeStruct((N, D), jnp.float32),
)



@jax.jit
def kernel(x, edge_index, W1, b1, W2, b2):
    er = edge_index.reshape(2, NW, CPW, CHUNK)

    degp = _sc_deg(er)
    ht = _tc_lin1(x, W1.T, b1[None, :], degp)
    aggp = _sc_agg(ht, er)
    return _tc_out(ht, aggp, degp, W2.T, b2[None, :])

# --- scband reference (transcript-rebuilt; emitter-appended) ---
"""Pipeline reference for scband-gnn-64750926954676 (READ-ONLY COPY).

The authoritative reference and input builder live on the scoring server;
editing this copy changes nothing except your own understanding.
"""

import jax, jax.numpy as jnp
import numpy as np

N = 10000
E = 320000
D = 128
ALPHA = 0.5
ALPHA_RES = 0.0
BETA = 1.0


def setup_inputs(seed: int = 0):
    key = jax.random.key(seed)
    k = jax.random.split(key, 6)
    x = jax.random.normal(k[0], (N, D), dtype=jnp.float32)
    edge_index = jax.random.randint(k[1], (2, E), 0, N).astype(jnp.int32)
    bound = 1.0 / np.sqrt(D)
    W1 = jax.random.uniform(k[2], (D, D), jnp.float32, -bound, bound)
    b1 = jax.random.uniform(k[3], (D,), jnp.float32, -bound, bound)
    W2 = jax.random.uniform(k[4], (D, D), jnp.float32, -bound, bound)
    b2 = jax.random.uniform(k[5], (D,), jnp.float32, -bound, bound)
    return {"x": x, "edge_index": edge_index, "W1": W1, "b1": b1, "W2": W2, "b2": b2}


def _gappnp(h, src, dst):
    # GAPPNP with K=1, gnn_type='symmetric': one step of symmetric-normalized
    # propagation with beta-weighted self loops, APPNP-style residual mixing.
    ones = jnp.ones(src.shape[0], dtype=h.dtype)
    deg = jax.ops.segment_sum(ones, dst, num_segments=N) + BETA
    dinv = jax.lax.rsqrt(deg)
    enorm = dinv[src] * dinv[dst]
    agg = jax.ops.segment_sum(h[src] * enorm[:, None], dst, num_segments=N)
    agg = agg + (BETA * dinv * dinv)[:, None] * h
    out = ALPHA * h + (1.0 - ALPHA) * agg
    out = ALPHA_RES * h + (1.0 - ALPHA_RES) * out
    return out


def reference(x, edge_index, W1, b1, W2, b2):
    src = edge_index[0]
    dst = edge_index[1]
    # layer 0: linear -> dropout (identity in eval) -> propagate -> normalize -> relu
    h = x @ W1.T + b1
    h = _gappnp(h, src, dst)
    nrm = jnp.sqrt(jnp.sum(h * h, axis=1, keepdims=True))
    h = h / jnp.maximum(nrm, 1e-12)
    h = jax.nn.relu(h)
    # layer 1 (last): linear only (norm branch requires c == 0)
    h = h @ W2.T + b2
    return h

if __name__ == "__main__":
    import jax
    _d = setup_inputs()
    print(jax.jit(kernel)(*tuple(_d.values())))

</pallas_src>

<mosaic_0001>
#map = affine_map<(d0, d1) -> (0, 0, 0, 0)>
#map1 = affine_map<(d0, d1) -> (0, 0)>
module attributes {stable_mosaic.version = 14 : i64} {
  func.func @_sc_deg_body(%arg0: i32, %arg1: i32, %arg2: memref<2x32x80x125xi32, #tpu.memory_space<hbm>>, %arg3: memref<2x10240xf32, #tpu.memory_space<hbm>>, %arg4: memref<80x125xi32, #tpu.memory_space<vmem>>, %arg5: memref<128xf32, #tpu.memory_space<vmem>>, %arg6: memref<640xf32, #tpu.memory_space<vmem>>, %arg7: memref<10240xf32, #tpu.memory_space<vmem_shared>>, %arg8: memref<!tpu.dma_semaphore, #tpu.memory_space<semaphore_mem>>) attributes {dimension_semantics = [#tpu.dimension_semantics<core_parallel>, #tpu.dimension_semantics<subcore_parallel>], iteration_bounds = array<i64: 2, 16>, scalar_prefetch = 0 : i64, scratch_operands = 5 : i64, tpu.core_type = #tpu.core_type<sc_vector_subcore>, window_params = [{transform_indices = #map}, {transform_indices = #map1}]} {
    %mul3A = arith.constant 16 : i32
    %mul3A_0 = arith.muli %arg0, %mul3A : i32
    %add3A = arith.addi %mul3A_0, %arg1 : i32
    %broadcast_in_dim3A = arith.constant 1.000000e+00 : f32
    %broadcast_in_dim3A_1 = vector.broadcast %broadcast_in_dim3A : f32 to vector<16xf32>
    %swap3A = arith.constant 0 : index
    %swap3A_2 = tpu.vector_load %arg5[%swap3A] {strides = array<i32>} : memref<128xf32, #tpu.memory_space<vmem>>, vector<16xf32>,
    %swap3A_3 = vector.shape_cast %swap3A_2 : vector<16xf32> to vector<16xf32>
    %swap3A_4 = vector.shape_cast %broadcast_in_dim3A_1 : vector<16xf32> to vector<16xf32>
    tpu.vector_store %arg5[%swap3A], %swap3A_4 {strides = array<i32>} : memref<128xf32, #tpu.memory_space<vmem>>, vector<16xf32>,
    %broadcast_in_dim3A_5 = arith.constant 1.000000e+00 : f32
    %broadcast_in_dim3A_6 = vector.broadcast %broadcast_in_dim3A_5 : f32 to vector<16xf32>
    %swap3A_7 = arith.constant 16 : index
    %swap3A_8 = tpu.vector_load %arg5[%swap3A_7] {strides = array<i32>} : memref<128xf32, #tpu.memory_space<vmem>>, vector<16xf32>,
    %swap3A_9 = vector.shape_cast %swap3A_8 : vector<16xf32> to vector<16xf32>
    %swap3A_10 = vector.shape_cast %broadcast_in_dim3A_6 : vector<16xf32> to vector<16xf32>
    tpu.vector_store %arg5[%swap3A_7], %swap3A_10 {strides = array<i32>} : memref<128xf32, #tpu.memory_space<vmem>>, vector<16xf32>,
    %broadcast_in_dim3A_11 = arith.constant 1.000000e+00 : f32
    %broadcast_in_dim3A_12 = vector.broadcast %broadcast_in_dim3A_11 : f32 to vector<16xf32>
    %swap3A_13 = arith.constant 32 : index
    %swap3A_14 = tpu.vector_load %arg5[%swap3A_13] {strides = array<i32>} : memref<128xf32, #tpu.memory_space<vmem>>, vector<16xf32>,
    %swap3A_15 = vector.shape_cast %swap3A_14 : vector<16xf32> to vector<16xf32>
    %swap3A_16 = vector.shape_cast %broadcast_in_dim3A_12 : vector<16xf32> to vector<16xf32>
    tpu.vector_store %arg5[%swap3A_13], %swap3A_16 {strides = array<i32>} : memref<128xf32, #tpu.memory_space<vmem>>, vector<16xf32>,
    %broadcast_in_dim3A_17 = arith.constant 1.000000e+00 : f32
    %broadcast_in_dim3A_18 = vector.broadcast %broadcast_in_dim3A_17 : f32 to vector<16xf32>
    %swap3A_19 = arith.constant 48 : index
    %swap3A_20 = tpu.vector_load %arg5[%swap3A_19] {strides = array<i32>} : memref<128xf32, #tpu.memory_space<vmem>>, vector<16xf32>,
    %swap3A_21 = vector.shape_cast %swap3A_20 : vector<16xf32> to vector<16xf32>
    %swap3A_22 = vector.shape_cast %broadcast_in_dim3A_18 : vector<16xf32> to vector<16xf32>
    tpu.vector_store %arg5[%swap3A_19], %swap3A_22 {strides = array<i32>} : memref<128xf32, #tpu.memory_space<vmem>>, vector<16xf32>,
    %broadcast_in_dim3A_23 = arith.constant 1.000000e+00 : f32
    %broadcast_in_dim3A_24 = vector.broadcast %broadcast_in_dim3A_23 : f32 to vector<16xf32>
    %swap3A_25 = arith.constant 64 : index
    %swap3A_26 = tpu.vector_load %arg5[%swap3A_25] {strides = array<i32>} : memref<128xf32, #tpu.memory_space<vmem>>, vector<16xf32>,
    %swap3A_27 = vector.shape_cast %swap3A_26 : vector<16xf32> to vector<16xf32>
    %swap3A_28 = vector.shape_cast %broadcast_in_dim3A_24 : vector<16xf32> to vector<16xf32>
    tpu.vector_store %arg5[%swap3A_25], %swap3A_28 {strides = array<i32>} : memref<128xf32, #tpu.memory_space<vmem>>, vector<16xf32>,
    %broadcast_in_dim3A_29 = arith.constant 1.000000e+00 : f32
    %broadcast_in_dim3A_30 = vector.broadcast %broadcast_in_dim3A_29 : f32 to vector<16xf32>
    %swap3A_31 = arith.constant 80 : index
    %swap3A_32 = tpu.vector_load %arg5[%swap3A_31] {strides = array<i32>} : memref<128xf32, #tpu.memory_space<vmem>>, vector<16xf32>,
    %swap3A_33 = vector.shape_cast %swap3A_32 : vector<16xf32> to vector<16xf32>
    %swap3A_34 = vector.shape_cast %broadcast_in_dim3A_30 : vector<16xf32> to vector<16xf32>
    tpu.vector_store %arg5[%swap3A_31], %swap3A_34 {strides = array<i32>} : memref<128xf32, #tpu.memory_space<vmem>>, vector<16xf32>,
    %broadcast_in_dim3A_35 = arith.constant 1.000000e+00 : f32
    %broadcast_in_dim3A_36 = vector.broadcast %broadcast_in_dim3A_35 : f32 to vector<16xf32>
    %swap3A_37 = arith.constant 96 : index
    %swap3A_38 = tpu.vector_load %arg5[%swap3A_37] {strides = array<i32>} : memref<128xf32, #tpu.memory_space<vmem>>, vector<16xf32>,
    %swap3A_39 = vector.shape_cast %swap3A_38 : vector<16xf32> to vector<16xf32>
    %swap3A_40 = vector.shape_cast %broadcast_in_dim3A_36 : vector<16xf32> to vector<16xf32>
    tpu.vector_store %arg5[%swap3A_37], %swap3A_40 {strides = array<i32>} : memref<128xf32, #tpu.memory_space<vmem>>, vector<16xf32>,
    %broadcast_in_dim3A_41 = arith.constant 1.000000e+00 : f32
    %broadcast_in_dim3A_42 = vector.broadcast %broadcast_in_dim3A_41 : f32 to vector<16xf32>
    %swap3A_43 = arith.constant 112 : index
    %swap3A_44 = tpu.vector_load %arg5[%swap3A_43] {strides = array<i32>} : memref<128xf32, #tpu.memory_space<vmem>>, vector<16xf32>,
    %swap3A_45 = vector.shape_cast %swap3A_44 : vector<16xf32> to vector<16xf32>
    %swap3A_46 = vector.shape_cast %broadcast_in_dim3A_42 : vector<16xf32> to vector<16xf32>
    tpu.vector_store %arg5[%swap3A_43], %swap3A_46 {strides = array<i32>} : memref<128xf32, #tpu.memory_space<vmem>>, vector<16xf32>,
    %broadcast_in_dim3A_47 = arith.constant 0.000000e+00 : f32
    %broadcast_in_dim3A_48 = vector.broadcast %broadcast_in_dim3A_47 : f32 to vector<16xf32>
    %swap3A_49 = arith.constant 0 : index
    %swap3A_50 = tpu.vector_load %arg6[%swap3A_49] {strides = array<i32>} : memref<640xf32, #tpu.memory_space<vmem>>, vector<16xf32>,
    %swap3A_51 = vector.shape_cast %swap3A_50 : vector<16xf32> to vector<16xf32>
    %swap3A_52 = vector.shape_cast %broadcast_in_dim3A_48 : vector<16xf32> to vector<16xf32>
    tpu.vector_store %arg6[%swap3A_49], %swap3A_52 {strides = array<i32>} : memref<640xf32, #tpu.memory_space<vmem>>, vector<16xf32>,
    %broadcast_in_dim3A_53 = arith.constant 0.000000e+00 : f32
    %broadcast_in_dim3A_54 = vector.broadcast %broadcast_in_dim3A_53 : f32 to vector<16xf32>
    %swap3A_55 = arith.constant 16 : index
    %swap3A_56 = tpu.vector_load %arg6[%swap3A_55] {strides = array<i32>} : memref<640xf32, #tpu.memory_space<vmem>>, vector<16xf32>,
    %swap3A_57 = vector.shape_cast %swap3A_56 : vector<16xf32> to vector<16xf32>
    %swap3A_58 = vector.shape_cast %broadcast_in_dim3A_54 : vector<16xf32> to vector<16xf32>
    tpu.vector_store %arg6[%swap3A_55], %swap3A_58 {strides = array<i32>} : memref<640xf32, #tpu.memory_space<vmem>>, vector<16xf32>,
    %broadcast_in_dim3A_59 = arith.constant 0.000000e+00 : f32
    %broadcast_in_dim3A_60 = vector.broadcast %broadcast_in_dim3A_59 : f32 to vector<16xf32>
    %swap3A_61 = arith.constant 32 : index
    %swap3A_62 = tpu.vector_load %arg6[%swap3A_61] {strides = array<i32>} : memref<640xf32, #tpu.memory_space<vmem>>, vector<16xf32>,
    %swap3A_63 = vector.shape_cast %swap3A_62 : vector<16xf32> to vector<16xf32>
    %swap3A_64 = vector.shape_cast %broadcast_in_dim3A_60 : vector<16xf32> to vector<16xf32>
    tpu.vector_store %arg6[%swap3A_61], %swap3A_64 {strides = array<i32>} : memref<640xf32, #tpu.memory_space<vmem>>, vector<16xf32>,
    %broadcast_in_dim3A_65 = arith.constant 0.000000e+00 : f32
    %broadcast_in_dim3A_66 = vector.broadcast %broadcast_in_dim3A_65 : f32 to vector<16xf32>
    %swap3A_67 = arith.constant 48 : index
    %swap3A_68 = tpu.vector_load %arg6[%swap3A_67] {strides = array<i32>} : memref<640xf32, #tpu.memory_space<vmem>>, vector<16xf32>,
    %swap3A_69 = vector.shape_cast %swap3A_68 : vector<16xf32> to vector<16xf32>
    %swap3A_70 = vector.shape_cast %broadcast_in_dim3A_66 : vector<16xf32> to vector<16xf32>
    tpu.vector_store %arg6[%swap3A_67], %swap3A_70 {strides = array<i32>} : memref<640xf32, #tpu.memory_space<vmem>>, vector<16xf32>,
    %broadcast_in_dim3A_71 = arith.constant 0.000000e+00 : f32
    %broadcast_in_dim3A_72 = vector.broadcast %broadcast_in_dim3A_71 : f32 to vector<16xf32>
    %swap3A_73 = arith.constant 64 : index
    %swap3A_74 = tpu.vector_load %arg6[%swap3A_73] {strides = array<i32>} : memref<640xf32, #tpu.memory_space<vmem>>, vector<16xf32>,
    %swap3A_75 = vector.shape_cast %swap3A_74 : vector<16xf32> to vector<16xf32>
    %swap3A_76 = vector.shape_cast %broadcast_in_dim3A_72 : vector<16xf32> to vector<16xf32>
    tpu.vector_store %arg6[%swap3A_73], %swap3A_76 {strides = array<i32>} : memref<640xf32, #tpu.memory_space<vmem>>, vector<16xf32>,
    %broadcast_in_dim3A_77 = arith.constant 0.000000e+00 : f32
    %broadcast_in_dim3A_78 = vector.broadcast %broadcast_in_dim3A_77 : f32 to vector<16xf32>
    %swap3A_79 = arith.constant 80 : index
    %swap3A_80 = tpu.vector_load %arg6[%swap3A_79] {strides = array<i32>} : memref<640xf32, #tpu.memory_space<vmem>>, vector<16xf32>,
    %swap3A_81 = vector.shape_cast %swap3A_80 : vector<16xf32> to vector<16xf32>
    %swap3A_82 = vector.shape_cast %broadcast_in_dim3A_78 : vector<16xf32> to vector<16xf32>
    tpu.vector_store %arg6[%swap3A_79], %swap3A_82 {strides = array<i32>} : memref<640xf32, #tpu.memory_space<vmem>>, vector<16xf32>,
    %broadcast_in_dim3A_83 = arith.constant 0.000000e+00 : f32
    %broadcast_in_dim3A_84 = vector.broadcast %broadcast_in_dim3A_83 : f32 to vector<16xf32>
    %swap3A_85 = arith.constant 96 : index
    %swap3A_86 = tpu.vector_load %arg6[%swap3A_85] {strides = array<i32>} : memref<640xf32, #tpu.memory_space<vmem>>, vector<16xf32>,
    %swap3A_87 = vector.shape_cast %swap3A_86 : vector<16xf32> to vector<16xf32>
    %swap3A_88 = vector.shape_cast %broadcast_in_dim3A_84 : vector<16xf32> to vector<16xf32>
    tpu.vector_store %arg6[%swap3A_85], %swap3A_88 {strides = array<i32>} : memref<640xf32, #tpu.memory_space<vmem>>, vector<16xf32>,
    %broadcast_in_dim3A_89 = arith.constant 0.000000e+00 : f32
    %broadcast_in_dim3A_90 = vector.broadcast %broadcast_in_dim3A_89 : f32 to vector<16xf32>
    %swap3A_91 = arith.constant 112 : index
    %swap3A_92 = tpu.vector_load %arg6[%swap3A_91] {strides = array<i32>} : memref<640xf32, #tpu.memory_space<vmem>>, vector<16xf32>,
    %swap3A_93 = vector.shape_cast %swap3A_92 : vector<16xf32> to vector<16xf32>
    %swap3A_94 = vector.shape_cast %broadcast_in_dim3A_90 : vector<16xf32> to vector<16xf32>
    tpu.vector_store %arg6[%swap3A_91], %swap3A_94 {strides = array<i32>} : memref<640xf32, #tpu.memory_space<vmem>>, vector<16xf32>,
    %broadcast_in_dim3A_95 = arith.constant 0.000000e+00 : f32
    %broadcast_in_dim3A_96 = vector.broadcast %broadcast_in_dim3A_95 : f32 to vector<16xf32>
    %swap3A_97 = arith.constant 128 : index
    %swap3A_98 = tpu.vector_load %arg6[%swap3A_97] {strides = array<i32>} : memref<640xf32, #tpu.memory_space<vmem>>, vector<16xf32>,
    %swap3A_99 = vector.shape_cast %swap3A_98 : vector<16xf32> to vector<16xf32>
    %swap3A_100 = vector.shape_cast %broadcast_in_dim3A_96 : vector<16xf32> to vector<16xf32>
    tpu.vector_store %arg6[%swap3A_97], %swap3A_100 {strides = array<i32>} : memref<640xf32, #tpu.memory_space<vmem>>, vector<16xf32>,
    %broadcast_in_dim3A_101 = arith.constant 0.000000e+00 : f32
    %broadcast_in_dim3A_102 = vector.broadcast %broadcast_in_dim3A_101 : f32 to vector<16xf32>
    %swap3A_103 = arith.constant 144 : index
    %swap3A_104 = tpu.vector_load %arg6[%swap3A_103] {strides = array<i32>} : memref<640xf32, #tpu.memory_space<vmem>>, vector<16xf32>,
    %swap3A_105 = vector.shape_cast %swap3A_104 : vector<16xf32> to vector<16xf32>
    %swap3A_106 = vector.shape_cast %broadcast_in_dim3A_102 : vector<16xf32> to vector<16xf32>
    tpu.vector_store %arg6[%swap3A_103], %swap3A_106 {strides = array<i32>} : memref<640xf32, #tpu.memory_space<vmem>>, vector<16xf32>,
    %broadcast_in_dim3A_107 = arith.constant 0.000000e+00 : f32
    %broadcast_in_dim3A_108 = vector.broadcast %broadcast_in_dim3A_107 : f32 to vector<16xf32>
    %swap3A_109 = arith.constant 160 : index
    %swap3A_110 = tpu.vector_load %arg6[%swap3A_109] {strides = array<i32>} : memref<640xf32, #tpu.memory_space<vmem>>, vector<16xf32>,
    %swap3A_111 = vector.shape_cast %swap3A_110 : vector<16xf32> to vector<16xf32>
    %swap3A_112 = vector.shape_cast %broadcast_in_dim3A_108 : vector<16xf32> to vector<16xf32>
    tpu.vector_store %arg6[%swap3A_109], %swap3A_112 {strides = array<i32>} : memref<640xf32, #tpu.memory_space<vmem>>, vector<16xf32>,
    %broadcast_in_dim3A_113 = arith.constant 0.000000e+00 : f32
    %broadcast_in_dim3A_114 = vector.broadcast %broadcast_in_dim3A_113 : f32 to vector<16xf32>
    %swap3A_115 = arith.constant 176 : index
    %swap3A_116 = tpu.vector_load %arg6[%swap3A_115] {strides = array<i32>} : memref<640xf32, #tpu.memory_space<vmem>>, vector<16xf32>,
    %swap3A_117 = vector.shape_cast %swap3A_116 : vector<16xf32> to vector<16xf32>
    %swap3A_118 = vector.shape_cast %broadcast_in_dim3A_114 : vector<16xf32> to vector<16xf32>
    tpu.vector_store %arg6[%swap3A_115], %swap3A_118 {strides = array<i32>} : memref<640xf32, #tpu.memory_space<vmem>>, vector<16xf32>,
    %broadcast_in_dim3A_119 = arith.constant 0.000000e+00 : f32
    %broadcast_in_dim3A_120 = vector.broadcast %broadcast_in_dim3A_119 : f32 to vector<16xf32>
    %swap3A_121 = arith.constant 192 : index
    %swap3A_122 = tpu.vector_load %arg6[%swap3A_121] {strides = array<i32>} : memref<640xf32, #tpu.memory_space<vmem>>, vector<16xf32>,
    %swap3A_123 = vector.shape_cast %swap3A_122 : vector<16xf32> to vector<16xf32>
    %swap3A_124 = vector.shape_cast %broadcast_in_dim3A_120 : vector<16xf32> to vector<16xf32>
    tpu.vector_store %arg6[%swap3A_121], %swap3A_124 {strides = array<i32>} : memref<640xf32, #tpu.memory_space<vmem>>, vector<16xf32>,
    %broadcast_in_dim3A_125 = arith.constant 0.000000e+00 : f32
    %broadcast_in_dim3A_126 = vector.broadcast %broadcast_in_dim3A_125 : f32 to vector<16xf32>
    %swap3A_127 = arith.constant 208 : index
    %swap3A_128 = tpu.vector_load %arg6[%swap3A_127] {strides = array<i32>} : memref<640xf32, #tpu.memory_space<vmem>>, vector<16xf32>,
    %swap3A_129 = vector.shape_cast %swap3A_128 : vector<16xf32> to vector<16xf32>
    %swap3A_130 = vector.shape_cast %broadcast_in_dim3A_126 : vector<16xf32> to vector<16xf32>
    tpu.vector_store %arg6[%swap3A_127], %swap3A_130 {strides = array<i32>} : memref<640xf32, #tpu.memory_space<vmem>>, vector<16xf32>,
    %broadcast_in_dim3A_131 = arith.constant 0.000000e+00 : f32
    %broadcast_in_dim3A_132 = vector.broadcast %broadcast_in_dim3A_131 : f32 to vector<16xf32>
    %swap3A_133 = arith.constant 224 : index
    %swap3A_134 = tpu.vector_load %arg6[%swap3A_133] {strides = array<i32>} : memref<640xf32, #tpu.memory_space<vmem>>, vector<16xf32>,
    %swap3A_135 = vector.shape_cast %swap3A_134 : vector<16xf32> to vector<16xf32>
    %swap3A_136 = vector.shape_cast %broadcast_in_dim3A_132 : vector<16xf32> to vector<16xf32>
    tpu.vector_store %arg6[%swap3A_133], %swap3A_136 {strides = array<i32>} : memref<640xf32, #tpu.memory_space<vmem>>, vector<16xf32>,
    %broadcast_in_dim3A_137 = arith.constant 0.000000e+00 : f32
    %broadcast_in_dim3A_138 = vector.broadcast %broadcast_in_dim3A_137 : f32 to vector<16xf32>
    %swap3A_139 = arith.constant 240 : index
    %swap3A_140 = tpu.vector_load %arg6[%swap3A_139] {strides = array<i32>} : memref<640xf32, #tpu.memory_space<vmem>>, vector<16xf32>,
    %swap3A_141 = vector.shape_cast %swap3A_140 : vector<16xf32> to vector<16xf32>
    %swap3A_142 = vector.shape_cast %broadcast_in_dim3A_138 : vector<16xf32> to vector<16xf32>
    tpu.vector_store %arg6[%swap3A_139], %swap3A_142 {strides = array<i32>} : memref<640xf32, #tpu.memory_space<vmem>>, vector<16xf32>,
    %broadcast_in_dim3A_143 = arith.constant 0.000000e+00 : f32
    %broadcast_in_dim3A_144 = vector.broadcast %broadcast_in_dim3A_143 : f32 to vector<16xf32>
    %swap3A_145 = arith.constant 256 : index
    %swap3A_146 = tpu.vector_load %arg6[%swap3A_145] {strides = array<i32>} : memref<640xf32, #tpu.memory_space<vmem>>, vector<16xf32>,
    %swap3A_147 = vector.shape_cast %swap3A_146 : vector<16xf32> to vector<16xf32>
    %swap3A_148 = vector.shape_cast %broadcast_in_dim3A_144 : vector<16xf32> to vector<16xf32>
    tpu.vector_store %arg6[%swap3A_145], %swap3A_148 {strides = array<i32>} : memref<640xf32, #tpu.memory_space<vmem>>, vector<16xf32>,
    %broadcast_in_dim3A_149 = arith.constant 0.000000e+00 : f32
    %broadcast_in_dim3A_150 = vector.broadcast %broadcast_in_dim3A_149 : f32 to vector<16xf32>
    %swap3A_151 = arith.constant 272 : index
    %swap3A_152 = tpu.vector_load %arg6[%swap3A_151] {strides = array<i32>} : memref<640xf32, #tpu.memory_space<vmem>>, vector<16xf32>,
    %swap3A_153 = vector.shape_cast %swap3A_152 : vector<16xf32> to vector<16xf32>
    %swap3A_154 = vector.shape_cast %broadcast_in_dim3A_150 : vector<16xf32> to vector<16xf32>
    tpu.vector_store %arg6[%swap3A_151], %swap3A_154 {strides = array<i32>} : memref<640xf32, #tpu.memory_space<vmem>>, vector<16xf32>,
    %broadcast_in_dim3A_155 = arith.constant 0.000000e+00 : f32
    %broadcast_in_dim3A_156 = vector.broadcast %broadcast_in_dim3A_155 : f32 to vector<16xf32>
    %swap3A_157 = arith.constant 288 : index
    %swap3A_158 = tpu.vector_load %arg6[%swap3A_157] {strides = array<i32>} : memref<640xf32, #tpu.memory_space<vmem>>, vector<16xf32>,
    %swap3A_159 = vector.shape_cast %swap3A_158 : vector<16xf32> to vector<16xf32>
    %swap3A_160 = vector.shape_cast %broadcast_in_dim3A_156 : vector<16xf32> to vector<16xf32>
    tpu.vector_store %arg6[%swap3A_157], %swap3A_160 {strides = array<i32>} : memref<640xf32, #tpu.memory_space<vmem>>, vector<16xf32>,
    %broadcast_in_dim3A_161 = arith.constant 0.000000e+00 : f32
    %broadcast_in_dim3A_162 = vector.broadcast %broadcast_in_dim3A_161 : f32 to vector<16xf32>
    %swap3A_163 = arith.constant 304 : index
    %swap3A_164 = tpu.vector_load %arg6[%swap3A_163] {strides = array<i32>} : memref<640xf32, #tpu.memory_space<vmem>>, vector<16xf32>,
    %swap3A_165 = vector.shape_cast %swap3A_164 : vector<16xf32> to vector<16xf32>
    %swap3A_166 = vector.shape_cast %broadcast_in_dim3A_162 : vector<16xf32> to vector<16xf32>
    tpu.vector_store %arg6[%swap3A_163], %swap3A_166 {strides = array<i32>} : memref<640xf32, #tpu.memory_space<vmem>>, vector<16xf32>,
    %broadcast_in_dim3A_167 = arith.constant 0.000000e+00 : f32
    %broadcast_in_dim3A_168 = vector.broadcast %broadcast_in_dim3A_167 : f32 to vector<16xf32>
    %swap3A_169 = arith.constant 320 : index
    %swap3A_170 = tpu.vector_load %arg6[%swap3A_169] {strides = array<i32>} : memref<640xf32, #tpu.memory_space<vmem>>, vector<16xf32>,
    %swap3A_171 = vector.shape_cast %swap3A_170 : vector<16xf32> to vector<16xf32>
    %swap3A_172 = vector.shape_cast %broadcast_in_dim3A_168 : vector<16xf32> to vector<16xf32>
    tpu.vector_store %arg6[%swap3A_169], %swap3A_172 {strides = array<i32>} : memref<640xf32, #tpu.memory_space<vmem>>, vector<16xf32>,
    %broadcast_in_dim3A_173 = arith.constant 0.000000e+00 : f32
    %broadcast_in_dim3A_174 = vector.broadcast %broadcast_in_dim3A_173 : f32 to vector<16xf32>
    %swap3A_175 = arith.constant 336 : index
    %swap3A_176 = tpu.vector_load %arg6[%swap3A_175] {strides = array<i32>} : memref<640xf32, #tpu.memory_space<vmem>>, vector<16xf32>,
    %swap3A_177 = vector.shape_cast %swap3A_176 : vector<16xf32> to vector<16xf32>
    %swap3A_178 = vector.shape_cast %broadcast_in_dim3A_174 : vector<16xf32> to vector<16xf32>
    tpu.vector_store %arg6[%swap3A_175], %swap3A_178 {strides = array<i32>} : memref<640xf32, #tpu.memory_space<vmem>>, vector<16xf32>,
    %broadcast_in_dim3A_179 = arith.constant 0.000000e+00 : f32
    %broadcast_in_dim3A_180 = vector.broadcast %broadcast_in_dim3A_179 : f32 to vector<16xf32>
    %swap3A_181 = arith.constant 352 : index
    %swap3A_182 = tpu.vector_load %arg6[%swap3A_181] {strides = array<i32>} : memref<640xf32, #tpu.memory_space<vmem>>, vector<16xf32>,
    %swap3A_183 = vector.shape_cast %swap3A_182 : vector<16xf32> to vector<16xf32>
    %swap3A_184 = vector.shape_cast %broadcast_in_dim3A_180 : vector<16xf32> to vector<16xf32>
    tpu.vector_store %arg6[%swap3A_181], %swap3A_184 {strides = array<i32>} : memref<640xf32, #tpu.memory_space<vmem>>, vector<16xf32>,
    %broadcast_in_dim3A_185 = arith.constant 0.000000e+00 : f32
    %broadcast_in_dim3A_186 = vector.broadcast %broadcast_in_dim3A_185 : f32 to vector<16xf32>
    %swap3A_187 = arith.constant 368 : index
    %swap3A_188 = tpu.vector_load %arg6[%swap3A_187] {strides = array<i32>} : memref<640xf32, #tpu.memory_space<vmem>>, vector<16xf32>,
    %swap3A_189 = vector.shape_cast %swap3A_188 : vector<16xf32> to vector<16xf32>
    %swap3A_190 = vector.shape_cast %broadcast_in_dim3A_186 : vector<16xf32> to vector<16xf32>
    tpu.vector_store %arg6[%swap3A_187], %swap3A_190 {strides = array<i32>} : memref<640xf32, #tpu.memory_space<vmem>>, vector<16xf32>,
    %broadcast_in_dim3A_191 = arith.constant 0.000000e+00 : f32
    %broadcast_in_dim3A_192 = vector.broadcast %broadcast_in_dim3A_191 : f32 to vector<16xf32>
    %swap3A_193 = arith.constant 384 : index
    %swap3A_194 = tpu.vector_load %arg6[%swap3A_193] {strides = array<i32>} : memref<640xf32, #tpu.memory_space<vmem>>, vector<16xf32>,
    %swap3A_195 = vector.shape_cast %swap3A_194 : vector<16xf32> to vector<16xf32>
    %swap3A_196 = vector.shape_cast %broadcast_in_dim3A_192 : vector<16xf32> to vector<16xf32>
    tpu.vector_store %arg6[%swap3A_193], %swap3A_196 {strides = array<i32>} : memref<640xf32, #tpu.memory_space<vmem>>, vector<16xf32>,
    %broadcast_in_dim3A_197 = arith.constant 0.000000e+00 : f32
    %broadcast_in_dim3A_198 = vector.broadcast %broadcast_in_dim3A_197 : f32 to vector<16xf32>
    %swap3A_199 = arith.constant 400 : index
    %swap3A_200 = tpu.vector_load %arg6[%swap3A_199] {strides = array<i32>} : memref<640xf32, #tpu.memory_space<vmem>>, vector<16xf32>,
    %swap3A_201 = vector.shape_cast %swap3A_200 : vector<16xf32> to vector<16xf32>
    %swap3A_202 = vector.shape_cast %broadcast_in_dim3A_198 : vector<16xf32> to vector<16xf32>
    tpu.vector_store %arg6[%swap3A_199], %swap3A_202 {strides = array<i32>} : memref<640xf32, #tpu.memory_space<vmem>>, vector<16xf32>,
    %broadcast_in_dim3A_203 = arith.constant 0.000000e+00 : f32
    %broadcast_in_dim3A_204 = vector.broadcast %broadcast_in_dim3A_203 : f32 to vector<16xf32>
    %swap3A_205 = arith.constant 416 : index
    %swap3A_206 = tpu.vector_load %arg6[%swap3A_205] {strides = array<i32>} : memref<640xf32, #tpu.memory_space<vmem>>, vector<16xf32>,
    %swap3A_207 = vector.shape_cast %swap3A_206 : vector<16xf32> to vector<16xf32>
    %swap3A_208 = vector.shape_cast %broadcast_in_dim3A_204 : vector<16xf32> to vector<16xf32>
    tpu.vector_store %arg6[%swap3A_205], %swap3A_208 {strides = array<i32>} : memref<640xf32, #tpu.memory_space<vmem>>, vector<16xf32>,
    %broadcast_in_dim3A_209 = arith.constant 0.000000e+00 : f32
    %broadcast_in_dim3A_210 = vector.broadcast %broadcast_in_dim3A_209 : f32 to vector<16xf32>
    %swap3A_211 = arith.constant 432 : index
    %swap3A_212 = tpu.vector_load %arg6[%swap3A_211] {strides = array<i32>} : memref<640xf32, #tpu.memory_space<vmem>>, vector<16xf32>,
    %swap3A_213 = vector.shape_cast %swap3A_212 : vector<16xf32> to vector<16xf32>
    %swap3A_214 = vector.shape_cast %broadcast_in_dim3A_210 : vector<16xf32> to vector<16xf32>
    tpu.vector_store %arg6[%swap3A_211], %swap3A_214 {strides = array<i32>} : memref<640xf32, #tpu.memory_space<vmem>>, vector<16xf32>,
    %broadcast_in_dim3A_215 = arith.constant 0.000000e+00 : f32
    %broadcast_in_dim3A_216 = vector.broadcast %broadcast_in_dim3A_215 : f32 to vector<16xf32>
    %swap3A_217 = arith.constant 448 : index
    %swap3A_218 = tpu.vector_load %arg6[%swap3A_217] {strides = array<i32>} : memref<640xf32, #tpu.memory_space<vmem>>, vector<16xf32>,
    %swap3A_219 = vector.shape_cast %swap3A_218 : vector<16xf32> to vector<16xf32>
    %swap3A_220 = vector.shape_cast %broadcast_in_dim3A_216 : vector<16xf32> to vector<16xf32>
    tpu.vector_store %arg6[%swap3A_217], %swap3A_220 {strides = array<i32>} : memref<640xf32, #tpu.memory_space<vmem>>, vector<16xf32>,
    %broadcast_in_dim3A_221 = arith.constant 0.000000e+00 : f32
    %broadcast_in_dim3A_222 = vector.broadcast %broadcast_in_dim3A_221 : f32 to vector<16xf32>
    %swap3A_223 = arith.constant 464 : index
    %swap3A_224 = tpu.vector_load %arg6[%swap3A_223] {strides = array<i32>} : memref<640xf32, #tpu.memory_space<vmem>>, vector<16xf32>,
    %swap3A_225 = vector.shape_cast %swap3A_224 : vector<16xf32> to vector<16xf32>
    %swap3A_226 = vector.shape_cast %broadcast_in_dim3A_222 : vector<16xf32> to vector<16xf32>
    tpu.vector_store %arg6[%swap3A_223], %swap3A_226 {strides = array<i32>} : memref<640xf32, #tpu.memory_space<vmem>>, vector<16xf32>,
    %broadcast_in_dim3A_227 = arith.constant 0.000000e+00 : f32
    %broadcast_in_dim3A_228 = vector.broadcast %broadcast_in_dim3A_227 : f32 to vector<16xf32>
    %swap3A_229 = arith.constant 480 : index
    %swap3A_230 = tpu.vector_load %arg6[%swap3A_229] {strides = array<i32>} : memref<640xf32, #tpu.memory_space<vmem>>, vector<16xf32>,
    %swap3A_231 = vector.shape_cast %swap3A_230 : vector<16xf32> to vector<16xf32>
    %swap3A_232 = vector.shape_cast %broadcast_in_dim3A_228 : vector<16xf32> to vector<16xf32>
    tpu.vector_store %arg6[%swap3A_229], %swap3A_232 {strides = array<i32>} : memref<640xf32, #tpu.memory_space<vmem>>, vector<16xf32>,
    %broadcast_in_dim3A_233 = arith.constant 0.000000e+00 : f32
    %broadcast_in_dim3A_234 = vector.broadcast %broadcast_in_dim3A_233 : f32 to vector<16xf32>
    %swap3A_235 = arith.constant 496 : index
    %swap3A_236 = tpu.vector_load %arg6[%swap3A_235] {strides = array<i32>} : memref<640xf32, #tpu.memory_space<vmem>>, vector<16xf32>,
    %swap3A_237 = vector.shape_cast %swap3A_236 : vector<16xf32> to vector<16xf32>
    %swap3A_238 = vector.shape_cast %broadcast_in_dim3A_234 : vector<16xf32> to vector<16xf32>
    tpu.vector_store %arg6[%swap3A_235], %swap3A_238 {strides = array<i32>} : memref<640xf32, #tpu.memory_space<vmem>>, vector<16xf32>,
    %broadcast_in_dim3A_239 = arith.constant 0.000000e+00 : f32
    %broadcast_in_dim3A_240 = vector.broadcast %broadcast_in_dim3A_239 : f32 to vector<16xf32>
    %swap3A_241 = arith.constant 512 : index
    %swap3A_242 = tpu.vector_load %arg6[%swap3A_241] {strides = array<i32>} : memref<640xf32, #tpu.memory_space<vmem>>, vector<16xf32>,
    %swap3A_243 = vector.shape_cast %swap3A_242 : vector<16xf32> to vector<16xf32>
    %swap3A_244 = vector.shape_cast %broadcast_in_dim3A_240 : vector<16xf32> to vector<16xf32>
    tpu.vector_store %arg6[%swap3A_241], %swap3A_244 {strides = array<i32>} : memref<640xf32, #tpu.memory_space<vmem>>, vector<16xf32>,
    %broadcast_in_dim3A_245 = arith.constant 0.000000e+00 : f32
    %broadcast_in_dim3A_246 = vector.broadcast %broadcast_in_dim3A_245 : f32 to vector<16xf32>
    %swap3A_247 = arith.constant 528 : index
    %swap3A_248 = tpu.vector_load %arg6[%swap3A_247] {strides = array<i32>} : memref<640xf32, #tpu.memory_space<vmem>>, vector<16xf32>,
    %swap3A_249 = vector.shape_cast %swap3A_248 : vector<16xf32> to vector<16xf32>
    %swap3A_250 = vector.shape_cast %broadcast_in_dim3A_246 : vector<16xf32> to vector<16xf32>
    tpu.vector_store %arg6[%swap3A_247], %swap3A_250 {strides = array<i32>} : memref<640xf32, #tpu.memory_space<vmem>>, vector<16xf32>,
    %broadcast_in_dim3A_251 = arith.constant 0.000000e+00 : f32
    %broadcast_in_dim3A_252 = vector.broadcast %broadcast_in_dim3A_251 : f32 to vector<16xf32>
    %swap3A_253 = arith.constant 544 : index
    %swap3A_254 = tpu.vector_load %arg6[%swap3A_253] {strides = array<i32>} : memref<640xf32, #tpu.memory_space<vmem>>, vector<16xf32>,
    %swap3A_255 = vector.shape_cast %swap3A_254 : vector<16xf32> to vector<16xf32>
    %swap3A_256 = vector.shape_cast %broadcast_in_dim3A_252 : vector<16xf32> to vector<16xf32>
    tpu.vector_store %arg6[%swap3A_253], %swap3A_256 {strides = array<i32>} : memref<640xf32, #tpu.memory_space<vmem>>, vector<16xf32>,
    %broadcast_in_dim3A_257 = arith.constant 0.000000e+00 : f32
    %broadcast_in_dim3A_258 = vector.broadcast %broadcast_in_dim3A_257 : f32 to vector<16xf32>
    %swap3A_259 = arith.constant 560 : index
    %swap3A_260 = tpu.vector_load %arg6[%swap3A_259] {strides = array<i32>} : memref<640xf32, #tpu.memory_space<vmem>>, vector<16xf32>,
    %swap3A_261 = vector.shape_cast %swap3A_260 : vector<16xf32> to vector<16xf32>
    %swap3A_262 = vector.shape_cast %broadcast_in_dim3A_258 : vector<16xf32> to vector<16xf32>
    tpu.vector_store %arg6[%swap3A_259], %swap3A_262 {strides = array<i32>} : memref<640xf32, #tpu.memory_space<vmem>>, vector<16xf32>,
    %broadcast_in_dim3A_263 = arith.constant 0.000000e+00 : f32
    %broadcast_in_dim3A_264 = vector.broadcast %broadcast_in_dim3A_263 : f32 to vector<16xf32>
    %swap3A_265 = arith.constant 576 : index
    %swap3A_266 = tpu.vector_load %arg6[%swap3A_265] {strides = array<i32>} : memref<640xf32, #tpu.memory_space<vmem>>, vector<16xf32>,
    %swap3A_267 = vector.shape_cast %swap3A_266 : vector<16xf32> to vector<16xf32>
    %swap3A_268 = vector.shape_cast %broadcast_in_dim3A_264 : vector<16xf32> to vector<16xf32>
    tpu.vector_store %arg6[%swap3A_265], %swap3A_268 {strides = array<i32>} : memref<640xf32, #tpu.memory_space<vmem>>, vector<16xf32>,
    %broadcast_in_dim3A_269 = arith.constant 0.000000e+00 : f32
    %broadcast_in_dim3A_270 = vector.broadcast %broadcast_in_dim3A_269 : f32 to vector<16xf32>
    %swap3A_271 = arith.constant 592 : index
    %swap3A_272 = tpu.vector_load %arg6[%swap3A_271] {strides = array<i32>} : memref<640xf32, #tpu.memory_space<vmem>>, vector<16xf32>,
    %swap3A_273 = vector.shape_cast %swap3A_272 : vector<16xf32> to vector<16xf32>
    %swap3A_274 = vector.shape_cast %broadcast_in_dim3A_270 : vector<16xf32> to vector<16xf32>
    tpu.vector_store %arg6[%swap3A_271], %swap3A_274 {strides = array<i32>} : memref<640xf32, #tpu.memory_space<vmem>>, vector<16xf32>,
    %broadcast_in_dim3A_275 = arith.constant 0.000000e+00 : f32
    %broadcast_in_dim3A_276 = vector.broadcast %broadcast_in_dim3A_275 : f32 to vector<16xf32>
    %swap3A_277 = arith.constant 608 : index
    %swap3A_278 = tpu.vector_load %arg6[%swap3A_277] {strides = array<i32>} : memref<640xf32, #tpu.memory_space<vmem>>, vector<16xf32>,
    %swap3A_279 = vector.shape_cast %swap3A_278 : vector<16xf32> to vector<16xf32>
    %swap3A_280 = vector.shape_cast %broadcast_in_dim3A_276 : vector<16xf32> to vector<16xf32>
    tpu.vector_store %arg6[%swap3A_277], %swap3A_280 {strides = array<i32>} : memref<640xf32, #tpu.memory_space<vmem>>, vector<16xf32>,
    %broadcast_in_dim3A_281 = arith.constant 0.000000e+00 : f32
    %broadcast_in_dim3A_282 = vector.broadcast %broadcast_in_dim3A_281 : f32 to vector<16xf32>
    %swap3A_283 = arith.constant 624 : index
    %swap3A_284 = tpu.vector_load %arg6[%swap3A_283] {strides = array<i32>} : memref<640xf32, #tpu.memory_space<vmem>>, vector<16xf32>,
    %swap3A_285 = vector.shape_cast %swap3A_284 : vector<16xf32> to vector<16xf32>
    %swap3A_286 = vector.shape_cast %broadcast_in_dim3A_282 : vector<16xf32> to vector<16xf32>
    tpu.vector_store %arg6[%swap3A_283], %swap3A_286 {strides = array<i32>} : memref<640xf32, #tpu.memory_space<vmem>>, vector<16xf32>,
    %run_scoped3A = arith.constant 1 : i32
    "tpu.region"() ({
      %run_scoped3A_297 = tpu.sem_alloc : memref<!tpu.dma_semaphore, #tpu.memory_space<semaphore_mem>>
      %dma_start3A = arith.constant 0 : i32
      %dma_start3A_298 = arith.constant 0 : i32
      %dma_start3A_299 = tpu.memref_slice %arg2[%run_scoped3A, %add3A, %dma_start3A, %dma_start3A_298] : memref<2x32x80x125xi32, #tpu.memory_space<hbm>> -> memref<1x1x80x125xi32, #tpu.memory_space<hbm>>
      %dma_start3A_300 = tpu.memref_squeeze %dma_start3A_299 : memref<1x1x80x125xi32, #tpu.memory_space<hbm>> -> memref<80x125xi32, #tpu.memory_space<hbm>>
      %dma_start3A_301 = arith.constant 0 : i32
      %dma_start3A_302 = arith.constant 0 : i32
      %dma_start3A_303 = tpu.memref_slice %arg2[%run_scoped3A, %add3A, %dma_start3A_301, %dma_start3A_302] : memref<2x32x80x125xi32, #tpu.memory_space<hbm>> -> memref<1x1x80x125xi32, #tpu.memory_space<hbm>>
      %dma_start3A_304 = tpu.memref_squeeze %dma_start3A_303 : memref<1x1x80x125xi32, #tpu.memory_space<hbm>> -> memref<80x125xi32, #tpu.memory_space<hbm>>
      tpu.enqueue_dma source(%dma_start3A_304 : memref<80x125xi32, #tpu.memory_space<hbm>>) target(%arg4 : memref<80x125xi32, #tpu.memory_space<vmem>>) target_semaphore(%run_scoped3A_297 : memref<!tpu.dma_semaphore, #tpu.memory_space<semaphore_mem>>)
      %dma_wait3A = arith.constant 0 : i32
      %dma_wait3A_305 = arith.constant 0 : i32
      %dma_wait3A_306 = tpu.memref_slice %arg2[%run_scoped3A, %add3A, %dma_wait3A, %dma_wait3A_305] : memref<2x32x80x125xi32, #tpu.memory_space<hbm>> -> memref<1x1x80x125xi32, #tpu.memory_space<hbm>>
      %dma_wait3A_307 = tpu.memref_squeeze %dma_wait3A_306 : memref<1x1x80x125xi32, #tpu.memory_space<hbm>> -> memref<80x125xi32, #tpu.memory_space<hbm>>
      %dma_wait3A_308 = arith.constant 0 : i32
      %dma_wait3A_309 = arith.constant 0 : i32
      %dma_wait3A_310 = tpu.memref_slice %arg2[%run_scoped3A, %add3A, %dma_wait3A_308, %dma_wait3A_309] : memref<2x32x80x125xi32, #tpu.memory_space<hbm>> -> memref<1x1x80x125xi32, #tpu.memory_space<hbm>>
      %dma_wait3A_311 = tpu.memref_squeeze %dma_wait3A_310 : memref<1x1x80x125xi32, #tpu.memory_space<hbm>> -> memref<80x125xi32, #tpu.memory_space<hbm>>
      tpu.wait_dma2 semaphore(%run_scoped3A_297 : memref<!tpu.dma_semaphore, #tpu.memory_space<semaphore_mem>>) src(%dma_wait3A_311 : memref<80x125xi32, #tpu.memory_space<hbm>>) dst(%arg4 : memref<80x125xi32, #tpu.memory_space<vmem>>)
      tpu.yield
    }) : () -> ()
    %mul3A_287 = arith.constant 640 : i32
    %mul3A_288 = arith.muli %arg1, %mul3A_287 : i32
    "tpu.region"() ({
      %run_scoped3A_297 = tpu.sem_alloc : memref<!tpu.dma_semaphore, #tpu.memory_space<semaphore_mem>>
      %dma_start3A = tpu.memref_slice %arg7[%mul3A_288] : memref<10240xf32, #tpu.memory_space<vmem_shared>> -> memref<640xf32, #tpu.memory_space<vmem_shared>>
      %dma_start3A_298 = tpu.memref_slice %arg7[%mul3A_288] : memref<10240xf32, #tpu.memory_space<vmem_shared>> -> memref<640xf32, #tpu.memory_space<vmem_shared>>
      tpu.enqueue_dma source(%arg6 : memref<640xf32, #tpu.memory_space<vmem>>) target(%dma_start3A_298 : memref<640xf32, #tpu.memory_space<vmem_shared>>) target_semaphore(%run_scoped3A_297 : memref<!tpu.dma_semaphore, #tpu.memory_space<semaphore_mem>>)
      %dma_wait3A = tpu.memref_slice %arg7[%mul3A_288] : memref<10240xf32, #tpu.memory_space<vmem_shared>> -> memref<640xf32, #tpu.memory_space<vmem_shared>>
      %dma_wait3A_299 = tpu.memref_slice %arg7[%mul3A_288] : memref<10240xf32, #tpu.memory_space<vmem_shared>> -> memref<640xf32, #tpu.memory_space<vmem_shared>>
      tpu.wait_dma2 semaphore(%run_scoped3A_297 : memref<!tpu.dma_semaphore, #tpu.memory_space<semaphore_mem>>) src(%arg6 : memref<640xf32, #tpu.memory_space<vmem>>) dst(%dma_wait3A_299 : memref<640xf32, #tpu.memory_space<vmem_shared>>)
      tpu.yield
    }) : () -> ()
    %barrier3A = arith.constant 0 : index
    tpu.barrier barrier_id(%barrier3A)
    %scan3A = arith.constant 0 : i32
    %scan3A_289 = arith.constant 0 : i32
    %scan3A_290 = arith.constant 10 : i32
    %scan3A_291 = arith.addi %scan3A_289, %scan3A_290 : i32
    %scan3A_292 = arith.constant 1 : i32
    scf.for %scan3A_297 = %scan3A_289 to %scan3A_291 step %scan3A_292  : i32 {
      %mul3A_298 = arith.constant 8 : i32
      %mul3A_299 = arith.muli %scan3A_297, %mul3A_298 : i32
      %add3A_300 = arith.constant 0 : i32
      %add3A_301 = arith.addi %mul3A_299, %add3A_300 : i32
      %dma_start3A = arith.constant 0 : i32
      %dma_start3A_302 = tpu.memref_slice %arg5[%dma_start3A] : memref<128xf32, #tpu.memory_space<vmem>> -> memref<125xf32, #tpu.memory_space<vmem>>
      %dma_start3A_303 = arith.constant 0 : i32
      %dma_start3A_304 = tpu.memref_slice %arg4[%add3A_301, %dma_start3A_303] : memref<80x125xi32, #tpu.memory_space<vmem>> -> memref<1x125xi32, #tpu.memory_space<vmem>>
      %dma_start3A_305 = tpu.memref_squeeze %dma_start3A_304 : memref<1x125xi32, #tpu.memory_space<vmem>> -> memref<125xi32, #tpu.memory_space<vmem>>
      %dma_start3A_306 = arith.constant 0 : i32
      %dma_start3A_307 = tpu.memref_slice %arg7[%dma_start3A_306] : memref<10240xf32, #tpu.memory_space<vmem_shared>> -> memref<10240xf32, #tpu.memory_space<vmem_shared>>
      tpu.enqueue_indirect_dma source(%dma_start3A_302 : memref<125xf32, #tpu.memory_space<vmem>>) target(%dma_start3A_307 : memref<10240xf32, #tpu.memory_space<vmem_shared>>) offsets(%dma_start3A_305 : memref<125xi32, #tpu.memory_space<vmem>>) semaphore(%arg8 : memref<!tpu.dma_semaphore, #tpu.memory_space<semaphore_mem>>) {add = true}
      %mul3A_308 = arith.constant 8 : i32
      %mul3A_309 = arith.muli %scan3A_297, %mul3A_308 : i32
      %add3A_310 = arith.constant 1 : i32
      %add3A_311 = arith.addi %mul3A_309, %add3A_310 : i32
      %dma_start3A_312 = arith.constant 0 : i32
      %dma_start3A_313 = tpu.memref_slice %arg5[%dma_start3A_312] : memref<128xf32, #tpu.memory_space<vmem>> -> memref<125xf32, #tpu.memory_space<vmem>>
      %dma_start3A_314 = arith.constant 0 : i32
      %dma_start3A_315 = tpu.memref_slice %arg4[%add3A_311, %dma_start3A_314] : memref<80x125xi32, #tpu.memory_space<vmem>> -> memref<1x125xi32, #tpu.memory_space<vmem>>
      %dma_start3A_316 = tpu.memref_squeeze %dma_start3A_315 : memref<1x125xi32, #tpu.memory_space<vmem>> -> memref<125xi32, #tpu.memory_space<vmem>>
      %dma_start3A_317 = arith.constant 0 : i32
      %dma_start3A_318 = tpu.memref_slice %arg7[%dma_start3A_317] : memref<10240xf32, #tpu.memory_space<vmem_shared>> -> memref<10240xf32, #tpu.memory_space<vmem_shared>>
      tpu.enqueue_indirect_dma source(%dma_start3A_313 : memref<125xf32, #tpu.memory_space<vmem>>) target(%dma_start3A_318 : memref<10240xf32, #tpu.memory_space<vmem_shared>>) offsets(%dma_start3A_316 : memref<125xi32, #tpu.memory_space<vmem>>) semaphore(%arg8 : memref<!tpu.dma_semaphore, #tpu.memory_space<semaphore_mem>>) {add = true}
      %mul3A_319 = arith.constant 8 : i32
      %mul3A_320 = arith.muli %scan3A_297, %mul3A_319 : i32
      %add3A_321 = arith.constant 2 : i32
      %add3A_322 = arith.addi %mul3A_320, %add3A_321 : i32
      %dma_start3A_323 = arith.constant 0 : i32
      %dma_start3A_324 = tpu.memref_slice %arg5[%dma_start3A_323] : memref<128xf32, #tpu.memory_space<vmem>> -> memref<125xf32, #tpu.memory_space<vmem>>
      %dma_start3A_325 = arith.constant 0 : i32
      %dma_start3A_326 = tpu.memref_slice %arg4[%add3A_322, %dma_start3A_325] : memref<80x125xi32, #tpu.memory_space<vmem>> -> memref<1x125xi32, #tpu.memory_space<vmem>>
      %dma_start3A_327 = tpu.memref_squeeze %dma_start3A_326 : memref<1x125xi32, #tpu.memory_space<vmem>> -> memref<125xi32, #tpu.memory_space<vmem>>
      %dma_start3A_328 = arith.constant 0 : i32
      %dma_start3A_329 = tpu.memref_slice %arg7[%dma_start3A_328] : memref<10240xf32, #tpu.memory_space<vmem_shared>> -> memref<10240xf32, #tpu.memory_space<vmem_shared>>
      tpu.enqueue_indirect_dma source(%dma_start3A_324 : memref<125xf32, #tpu.memory_space<vmem>>) target(%dma_start3A_329 : memref<10240xf32, #tpu.memory_space<vmem_shared>>) offsets(%dma_start3A_327 : memref<125xi32, #tpu.memory_space<vmem>>) semaphore(%arg8 : memref<!tpu.dma_semaphore, #tpu.memory_space<semaphore_mem>>) {add = true}
      %mul3A_330 = arith.constant 8 : i32
      %mul3A_331 = arith.muli %scan3A_297, %mul3A_330 : i32
      %add3A_332 = arith.constant 3 : i32
      %add3A_333 = arith.addi %mul3A_331, %add3A_332 : i32
      %dma_start3A_334 = arith.constant 0 : i32
      %dma_start3A_335 = tpu.memref_slice %arg5[%dma_start3A_334] : memref<128xf32, #tpu.memory_space<vmem>> -> memref<125xf32, #tpu.memory_space<vmem>>
      %dma_start3A_336 = arith.constant 0 : i32
      %dma_start3A_337 = tpu.memref_slice %arg4[%add3A_333, %dma_start3A_336] : memref<80x125xi32, #tpu.memory_space<vmem>> -> memref<1x125xi32, #tpu.memory_space<vmem>>
      %dma_start3A_338 = tpu.memref_squeeze %dma_start3A_337 : memref<1x125xi32, #tpu.memory_space<vmem>> -> memref<125xi32, #tpu.memory_space<vmem>>
      %dma_start3A_339 = arith.constant 0 : i32
      %dma_start3A_340 = tpu.memref_slice %arg7[%dma_start3A_339] : memref<10240xf32, #tpu.memory_space<vmem_shared>> -> memref<10240xf32, #tpu.memory_space<vmem_shared>>
      tpu.enqueue_indirect_dma source(%dma_start3A_335 : memref<125xf32, #tpu.memory_space<vmem>>) target(%dma_start3A_340 : memref<10240xf32, #tpu.memory_space<vmem_shared>>) offsets(%dma_start3A_338 : memref<125xi32, #tpu.memory_space<vmem>>) semaphore(%arg8 : memref<!tpu.dma_semaphore, #tpu.memory_space<semaphore_mem>>) {add = true}
      %mul3A_341 = arith.constant 8 : i32
      %mul3A_342 = arith.muli %scan3A_297, %mul3A_341 : i32
      %add3A_343 = arith.constant 4 : i32
      %add3A_344 = arith.addi %mul3A_342, %add3A_343 : i32
      %dma_start3A_345 = arith.constant 0 : i32
      %dma_start3A_346 = tpu.memref_slice %arg5[%dma_start3A_345] : memref<128xf32, #tpu.memory_space<vmem>> -> memref<125xf32, #tpu.memory_space<vmem>>
      %dma_start3A_347 = arith.constant 0 : i32
      %dma_start3A_348 = tpu.memref_slice %arg4[%add3A_344, %dma_start3A_347] : memref<80x125xi32, #tpu.memory_space<vmem>> -> memref<1x125xi32, #tpu.memory_space<vmem>>
      %dma_start3A_349 = tpu.memref_squeeze %dma_start3A_348 : memref<1x125xi32, #tpu.memory_space<vmem>> -> memref<125xi32, #tpu.memory_space<vmem>>
      %dma_start3A_350 = arith.constant 0 : i32
      %dma_start3A_351 = tpu.memref_slice %arg7[%dma_start3A_350] : memref<10240xf32, #tpu.memory_space<vmem_shared>> -> memref<10240xf32, #tpu.memory_space<vmem_shared>>
      tpu.enqueue_indirect_dma source(%dma_start3A_346 : memref<125xf32, #tpu.memory_space<vmem>>) target(%dma_start3A_351 : memref<10240xf32, #tpu.memory_space<vmem_shared>>) offsets(%dma_start3A_349 : memref<125xi32, #tpu.memory_space<vmem>>) semaphore(%arg8 : memref<!tpu.dma_semaphore, #tpu.memory_space<semaphore_mem>>) {add = true}
      %mul3A_352 = arith.constant 8 : i32
      %mul3A_353 = arith.muli %scan3A_297, %mul3A_352 : i32
      %add3A_354 = arith.constant 5 : i32
      %add3A_355 = arith.addi %mul3A_353, %add3A_354 : i32
      %dma_start3A_356 = arith.constant 0 : i32
      %dma_start3A_357 = tpu.memref_slice %arg5[%dma_start3A_356] : memref<128xf32, #tpu.memory_space<vmem>> -> memref<125xf32, #tpu.memory_space<vmem>>
      %dma_start3A_358 = arith.constant 0 : i32
      %dma_start3A_359 = tpu.memref_slice %arg4[%add3A_355, %dma_start3A_358] : memref<80x125xi32, #tpu.memory_space<vmem>> -> memref<1x125xi32, #tpu.memory_space<vmem>>
      %dma_start3A_360 = tpu.memref_squeeze %dma_start3A_359 : memref<1x125xi32, #tpu.memory_space<vmem>> -> memref<125xi32, #tpu.memory_space<vmem>>
      %dma_start3A_361 = arith.constant 0 : i32
      %dma_start3A_362 = tpu.memref_slice %arg7[%dma_start3A_361] : memref<10240xf32, #tpu.memory_space<vmem_shared>> -> memref<10240xf32, #tpu.memory_space<vmem_shared>>
      tpu.enqueue_indirect_dma source(%dma_start3A_357 : memref<125xf32, #tpu.memory_space<vmem>>) target(%dma_start3A_362 : memref<10240xf32, #tpu.memory_space<vmem_shared>>) offsets(%dma_start3A_360 : memref<125xi32, #tpu.memory_space<vmem>>) semaphore(%arg8 : memref<!tpu.dma_semaphore, #tpu.memory_space<semaphore_mem>>) {add = true}
      %mul3A_363 = arith.constant 8 : i32
      %mul3A_364 = arith.muli %scan3A_297, %mul3A_363 : i32
      %add3A_365 = arith.constant 6 : i32
      %add3A_366 = arith.addi %mul3A_364, %add3A_365 : i32
      %dma_start3A_367 = arith.constant 0 : i32
      %dma_start3A_368 = tpu.memref_slice %arg5[%dma_start3A_367] : memref<128xf32, #tpu.memory_space<vmem>> -> memref<125xf32, #tpu.memory_space<vmem>>
      %dma_start3A_369 = arith.constant 0 : i32
      %dma_start3A_370 = tpu.memref_slice %arg4[%add3A_366, %dma_start3A_369] : memref<80x125xi32, #tpu.memory_space<vmem>> -> memref<1x125xi32, #tpu.memory_space<vmem>>
      %dma_start3A_371 = tpu.memref_squeeze %dma_start3A_370 : memref<1x125xi32, #tpu.memory_space<vmem>> -> memref<125xi32, #tpu.memory_space<vmem>>
      %dma_start3A_372 = arith.constant 0 : i32
      %dma_start3A_373 = tpu.memref_slice %arg7[%dma_start3A_372] : memref<10240xf32, #tpu.memory_space<vmem_shared>> -> memref<10240xf32, #tpu.memory_space<vmem_shared>>
      tpu.enqueue_indirect_dma source(%dma_start3A_368 : memref<125xf32, #tpu.memory_space<vmem>>) target(%dma_start3A_373 : memref<10240xf32, #tpu.memory_space<vmem_shared>>) offsets(%dma_start3A_371 : memref<125xi32, #tpu.memory_space<vmem>>) semaphore(%arg8 : memref<!tpu.dma_semaphore, #tpu.memory_space<semaphore_mem>>) {add = true}
      %mul3A_374 = arith.constant 8 : i32
      %mul3A_375 = arith.muli %scan3A_297, %mul3A_374 : i32
      %add3A_376 = arith.constant 7 : i32
      %add3A_377 = arith.addi %mul3A_375, %add3A_376 : i32
      %dma_start3A_378 = arith.constant 0 : i32
      %dma_start3A_379 = tpu.memref_slice %arg5[%dma_start3A_378] : memref<128xf32, #tpu.memory_space<vmem>> -> memref<125xf32, #tpu.memory_space<vmem>>
      %dma_start3A_380 = arith.constant 0 : i32
      %dma_start3A_381 = tpu.memref_slice %arg4[%add3A_377, %dma_start3A_380] : memref<80x125xi32, #tpu.memory_space<vmem>> -> memref<1x125xi32, #tpu.memory_space<vmem>>
      %dma_start3A_382 = tpu.memref_squeeze %dma_start3A_381 : memref<1x125xi32, #tpu.memory_space<vmem>> -> memref<125xi32, #tpu.memory_space<vmem>>
      %dma_start3A_383 = arith.constant 0 : i32
      %dma_start3A_384 = tpu.memref_slice %arg7[%dma_start3A_383] : memref<10240xf32, #tpu.memory_space<vmem_shared>> -> memref<10240xf32, #tpu.memory_space<vmem_shared>>
      tpu.enqueue_indirect_dma source(%dma_start3A_379 : memref<125xf32, #tpu.memory_space<vmem>>) target(%dma_start3A_384 : memref<10240xf32, #tpu.memory_space<vmem_shared>>) offsets(%dma_start3A_382 : memref<125xi32, #tpu.memory_space<vmem>>) semaphore(%arg8 : memref<!tpu.dma_semaphore, #tpu.memory_space<semaphore_mem>>) {add = true}
      %mul3A_385 = arith.constant 8 : i32
      %mul3A_386 = arith.muli %scan3A_297, %mul3A_385 : i32
      %add3A_387 = arith.constant 0 : i32
      %add3A_388 = arith.addi %mul3A_386, %add3A_387 : i32
      %dma_wait3A = arith.constant 0 : i32
      %dma_wait3A_389 = tpu.memref_slice %arg5[%dma_wait3A] : memref<128xf32, #tpu.memory_space<vmem>> -> memref<125xf32, #tpu.memory_space<vmem>>
      %dma_wait3A_390 = arith.constant 0 : i32
      %dma_wait3A_391 = tpu.memref_slice %arg4[%add3A_388, %dma_wait3A_390] : memref<80x125xi32, #tpu.memory_space<vmem>> -> memref<1x125xi32, #tpu.memory_space<vmem>>
      %dma_wait3A_392 = tpu.memref_squeeze %dma_wait3A_391 : memref<1x125xi32, #tpu.memory_space<vmem>> -> memref<125xi32, #tpu.memory_space<vmem>>
      %dma_wait3A_393 = arith.constant 0 : i32
      %dma_wait3A_394 = tpu.memref_slice %arg7[%dma_wait3A_393] : memref<10240xf32, #tpu.memory_space<vmem_shared>> -> memref<10240xf32, #tpu.memory_space<vmem_shared>>
      tpu.wait_indirect_dma semaphore(%arg8 : memref<!tpu.dma_semaphore, #tpu.memory_space<semaphore_mem>>) src(%dma_wait3A_389 : memref<125xf32, #tpu.memory_space<vmem>>) dst(%dma_wait3A_394 : memref<10240xf32, #tpu.memory_space<vmem_shared>>)
      %mul3A_395 = arith.constant 8 : i32
      %mul3A_396 = arith.muli %scan3A_297, %mul3A_395 : i32
      %add3A_397 = arith.constant 1 : i32
      %add3A_398 = arith.addi %mul3A_396, %add3A_397 : i32
      %dma_wait3A_399 = arith.constant 0 : i32
      %dma_wait3A_400 = tpu.memref_slice %arg5[%dma_wait3A_399] : memref<128xf32, #tpu.memory_space<vmem>> -> memref<125xf32, #tpu.memory_space<vmem>>
      %dma_wait3A_401 = arith.constant 0 : i32
      %dma_wait3A_402 = tpu.memref_slice %arg4[%add3A_398, %dma_wait3A_401] : memref<80x125xi32, #tpu.memory_space<vmem>> -> memref<1x125xi32, #tpu.memory_space<vmem>>
      %dma_wait3A_403 = tpu.memref_squeeze %dma_wait3A_402 : memref<1x125xi32, #tpu.memory_space<vmem>> -> memref<125xi32, #tpu.memory_space<vmem>>
      %dma_wait3A_404 = arith.constant 0 : i32
      %dma_wait3A_405 = tpu.memref_slice %arg7[%dma_wait3A_404] : memref<10240xf32, #tpu.memory_space<vmem_shared>> -> memref<10240xf32, #tpu.memory_space<vmem_shared>>
      tpu.wait_indirect_dma semaphore(%arg8 : memref<!tpu.dma_semaphore, #tpu.memory_space<semaphore_mem>>) src(%dma_wait3A_400 : memref<125xf32, #tpu.memory_space<vmem>>) dst(%dma_wait3A_405 : memref<10240xf32, #tpu.memory_space<vmem_shared>>)
      %mul3A_406 = arith.constant 8 : i32
      %mul3A_407 = arith.muli %scan3A_297, %mul3A_406 : i32
      %add3A_408 = arith.constant 2 : i32
      %add3A_409 = arith.addi %mul3A_407, %add3A_408 : i32
      %dma_wait3A_410 = arith.constant 0 : i32
      %dma_wait3A_411 = tpu.memref_slice %arg5[%dma_wait3A_410] : memref<128xf32, #tpu.memory_space<vmem>> -> memref<125xf32, #tpu.memory_space<vmem>>
      %dma_wait3A_412 = arith.constant 0 : i32
      %dma_wait3A_413 = tpu.memref_slice %arg4[%add3A_409, %dma_wait3A_412] : memref<80x125xi32, #tpu.memory_space<vmem>> -> memref<1x125xi32, #tpu.memory_space<vmem>>
      %dma_wait3A_414 = tpu.memref_squeeze %dma_wait3A_413 : memref<1x125xi32, #tpu.memory_space<vmem>> -> memref<125xi32, #tpu.memory_space<vmem>>
      %dma_wait3A_415 = arith.constant 0 : i32
      %dma_wait3A_416 = tpu.memref_slice %arg7[%dma_wait3A_415] : memref<10240xf32, #tpu.memory_space<vmem_shared>> -> memref<10240xf32, #tpu.memory_space<vmem_shared>>
      tpu.wait_indirect_dma semaphore(%arg8 : memref<!tpu.dma_semaphore, #tpu.memory_space<semaphore_mem>>) src(%dma_wait3A_411 : memref<125xf32, #tpu.memory_space<vmem>>) dst(%dma_wait3A_416 : memref<10240xf32, #tpu.memory_space<vmem_shared>>)
      %mul3A_417 = arith.constant 8 : i32
      %mul3A_418 = arith.muli %scan3A_297, %mul3A_417 : i32
      %add3A_419 = arith.constant 3 : i32
      %add3A_420 = arith.addi %mul3A_418, %add3A_419 : i32
      %dma_wait3A_421 = arith.constant 0 : i32
      %dma_wait3A_422 = tpu.memref_slice %arg5[%dma_wait3A_421] : memref<128xf32, #tpu.memory_space<vmem>> -> memref<125xf32, #tpu.memory_space<vmem>>
      %dma_wait3A_423 = arith.constant 0 : i32
      %dma_wait3A_424 = tpu.memref_slice %arg4[%add3A_420, %dma_wait3A_423] : memref<80x125xi32, #tpu.memory_space<vmem>> -> memref<1x125xi32, #tpu.memory_space<vmem>>
      %dma_wait3A_425 = tpu.memref_squeeze %dma_wait3A_424 : memref<1x125xi32, #tpu.memory_space<vmem>> -> memref<125xi32, #tpu.memory_space<vmem>>
      %dma_wait3A_426 = arith.constant 0 : i32
      %dma_wait3A_427 = tpu.memref_slice %arg7[%dma_wait3A_426] : memref<10240xf32, #tpu.memory_space<vmem_shared>> -> memref<10240xf32, #tpu.memory_space<vmem_shared>>
      tpu.wait_indirect_dma semaphore(%arg8 : memref<!tpu.dma_semaphore, #tpu.memory_space<semaphore_mem>>) src(%dma_wait3A_422 : memref<125xf32, #tpu.memory_space<vmem>>) dst(%dma_wait3A_427 : memref<10240xf32, #tpu.memory_space<vmem_shared>>)
      %mul3A_428 = arith.constant 8 : i32
      %mul3A_429 = arith.muli %scan3A_297, %mul3A_428 : i32
      %add3A_430 = arith.constant 4 : i32
      %add3A_431 = arith.addi %mul3A_429, %add3A_430 : i32
      %dma_wait3A_432 = arith.constant 0 : i32
      %dma_wait3A_433 = tpu.memref_slice %arg5[%dma_wait3A_432] : memref<128xf32, #tpu.memory_space<vmem>> -> memref<125xf32, #tpu.memory_space<vmem>>
      %dma_wait3A_434 = arith.constant 0 : i32
      %dma_wait3A_435 = tpu.memref_slice %arg4[%add3A_431, %dma_wait3A_434] : memref<80x125xi32, #tpu.memory_space<vmem>> -> memref<1x125xi32, #tpu.memory_space<vmem>>
      %dma_wait3A_436 = tpu.memref_squeeze %dma_wait3A_435 : memref<1x125xi32, #tpu.memory_space<vmem>> -> memref<125xi32, #tpu.memory_space<vmem>>
      %dma_wait3A_437 = arith.constant 0 : i32
      %dma_wait3A_438 = tpu.memref_slice %arg7[%dma_wait3A_437] : memref<10240xf32, #tpu.memory_space<vmem_shared>> -> memref<10240xf32, #tpu.memory_space<vmem_shared>>
      tpu.wait_indirect_dma semaphore(%arg8 : memref<!tpu.dma_semaphore, #tpu.memory_space<semaphore_mem>>) src(%dma_wait3A_433 : memref<125xf32, #tpu.memory_space<vmem>>) dst(%dma_wait3A_438 : memref<10240xf32, #tpu.memory_space<vmem_shared>>)
      %mul3A_439 = arith.constant 8 : i32
      %mul3A_440 = arith.muli %scan3A_297, %mul3A_439 : i32
      %add3A_441 = arith.constant 5 : i32
      %add3A_442 = arith.addi %mul3A_440, %add3A_441 : i32
      %dma_wait3A_443 = arith.constant 0 : i32
      %dma_wait3A_444 = tpu.memref_slice %arg5[%dma_wait3A_443] : memref<128xf32, #tpu.memory_space<vmem>> -> memref<125xf32, #tpu.memory_space<vmem>>
      %dma_wait3A_445 = arith.constant 0 : i32
      %dma_wait3A_446 = tpu.memref_slice %arg4[%add3A_442, %dma_wait3A_445] : memref<80x125xi32, #tpu.memory_space<vmem>> -> memref<1x125xi32, #tpu.memory_space<vmem>>
      %dma_wait3A_447 = tpu.memref_squeeze %dma_wait3A_446 : memref<1x125xi32, #tpu.memory_space<vmem>> -> memref<125xi32, #tpu.memory_space<vmem>>
      %dma_wait3A_448 = arith.constant 0 : i32
      %dma_wait3A_449 = tpu.memref_slice %arg7[%dma_wait3A_448] : memref<10240xf32, #tpu.memory_space<vmem_shared>> -> memref<10240xf32, #tpu.memory_space<vmem_shared>>
      tpu.wait_indirect_dma semaphore(%arg8 : memref<!tpu.dma_semaphore, #tpu.memory_space<semaphore_mem>>) src(%dma_wait3A_444 : memref<125xf32, #tpu.memory_space<vmem>>) dst(%dma_wait3A_449 : memref<10240xf32, #tpu.memory_space<vmem_shared>>)
      %mul3A_450 = arith.constant 8 : i32
      %mul3A_451 = arith.muli %scan3A_297, %mul3A_450 : i32
      %add3A_452 = arith.constant 6 : i32
      %add3A_453 = arith.addi %mul3A_451, %add3A_452 : i32
      %dma_wait3A_454 = arith.constant 0 : i32
      %dma_wait3A_455 = tpu.memref_slice %arg5[%dma_wait3A_454] : memref<128xf32, #tpu.memory_space<vmem>> -> memref<125xf32, #tpu.memory_space<vmem>>
      %dma_wait3A_456 = arith.constant 0 : i32
      %dma_wait3A_457 = tpu.memref_slice %arg4[%add3A_453, %dma_wait3A_456] : memref<80x125xi32, #tpu.memory_space<vmem>> -> memref<1x125xi32, #tpu.memory_space<vmem>>
      %dma_wait3A_458 = tpu.memref_squeeze %dma_wait3A_457 : memref<1x125xi32, #tpu.memory_space<vmem>> -> memref<125xi32, #tpu.memory_space<vmem>>
      %dma_wait3A_459 = arith.constant 0 : i32
      %dma_wait3A_460 = tpu.memref_slice %arg7[%dma_wait3A_459] : memref<10240xf32, #tpu.memory_space<vmem_shared>> -> memref<10240xf32, #tpu.memory_space<vmem_shared>>
      tpu.wait_indirect_dma semaphore(%arg8 : memref<!tpu.dma_semaphore, #tpu.memory_space<semaphore_mem>>) src(%dma_wait3A_455 : memref<125xf32, #tpu.memory_space<vmem>>) dst(%dma_wait3A_460 : memref<10240xf32, #tpu.memory_space<vmem_shared>>)
      %mul3A_461 = arith.constant 8 : i32
      %mul3A_462 = arith.muli %scan3A_297, %mul3A_461 : i32
      %add3A_463 = arith.constant 7 : i32
      %add3A_464 = arith.addi %mul3A_462, %add3A_463 : i32
      %dma_wait3A_465 = arith.constant 0 : i32
      %dma_wait3A_466 = tpu.memref_slice %arg5[%dma_wait3A_465] : memref<128xf32, #tpu.memory_space<vmem>> -> memref<125xf32, #tpu.memory_space<vmem>>
      %dma_wait3A_467 = arith.constant 0 : i32
      %dma_wait3A_468 = tpu.memref_slice %arg4[%add3A_464, %dma_wait3A_467] : memref<80x125xi32, #tpu.memory_space<vmem>> -> memref<1x125xi32, #tpu.memory_space<vmem>>
      %dma_wait3A_469 = tpu.memref_squeeze %dma_wait3A_468 : memref<1x125xi32, #tpu.memory_space<vmem>> -> memref<125xi32, #tpu.memory_space<vmem>>
      %dma_wait3A_470 = arith.constant 0 : i32
      %dma_wait3A_471 = tpu.memref_slice %arg7[%dma_wait3A_470] : memref<10240xf32, #tpu.memory_space<vmem_shared>> -> memref<10240xf32, #tpu.memory_space<vmem_shared>>
      tpu.wait_indirect_dma semaphore(%arg8 : memref<!tpu.dma_semaphore, #tpu.memory_space<semaphore_mem>>) src(%dma_wait3A_466 : memref<125xf32, #tpu.memory_space<vmem>>) dst(%dma_wait3A_471 : memref<10240xf32, #tpu.memory_space<vmem_shared>>)
    }
    %scan3A_293 = arith.constant 10 : i32
    %barrier3A_294 = arith.constant 0 : index
    tpu.barrier barrier_id(%barrier3A_294)
    %eq3A = arith.constant 0 : i32
    %eq3A_295 = arith.cmpi eq, %arg1, %eq3A : i32
    %convert_element_type3A = arith.extui %eq3A_295 : i1 to i32
    %cond3A = arith.constant 0 : i32
    %cond3A_296 = arith.cmpi ne, %convert_element_type3A, %cond3A : i32
    scf.if %cond3A_296 {
      "tpu.region"() ({
        %run_scoped3A_297 = tpu.sem_alloc : memref<!tpu.dma_semaphore, #tpu.memory_space<semaphore_mem>>
        %dma_start3A = arith.constant 0 : i32
        %dma_start3A_298 = tpu.memref_slice %arg3[%arg0, %dma_start3A] : memref<2x10240xf32, #tpu.memory_space<hbm>> -> memref<1x10240xf32, #tpu.memory_space<hbm>>
        %dma_start3A_299 = tpu.memref_squeeze %dma_start3A_298 : memref<1x10240xf32, #tpu.memory_space<hbm>> -> memref<10240xf32, #tpu.memory_space<hbm>>
        tpu.enqueue_dma source(%arg7 : memref<10240xf32, #tpu.memory_space<vmem_shared>>) target(%dma_start3A_299 : memref<10240xf32, #tpu.memory_space<hbm>>) target_semaphore(%run_scoped3A_297 : memref<!tpu.dma_semaphore, #tpu.memory_space<semaphore_mem>>)
        %dma_wait3A = arith.constant 0 : i32
        %dma_wait3A_300 = tpu.memref_slice %arg3[%arg0, %dma_wait3A] : memref<2x10240xf32, #tpu.memory_space<hbm>> -> memref<1x10240xf32, #tpu.memory_space<hbm>>
        %dma_wait3A_301 = tpu.memref_squeeze %dma_wait3A_300 : memref<1x10240xf32, #tpu.memory_space<hbm>> -> memref<10240xf32, #tpu.memory_space<hbm>>
        tpu.wait_dma2 semaphore(%run_scoped3A_297 : memref<!tpu.dma_semaphore, #tpu.memory_space<semaphore_mem>>) src(%arg7 : memref<10240xf32, #tpu.memory_space<vmem_shared>>) dst(%dma_wait3A_301 : memref<10240xf32, #tpu.memory_space<hbm>>)
        tpu.yield
      }) : () -> ()
    } else {
    }
    return
  }
}

#map = affine_map<(d0, d1) -> (0, 0)>
#map1 = affine_map<(d0, d1) -> (0, 0, 0, 0)>
#map2 = affine_map<(d0, d1) -> (0, 0, 0)>
module attributes {stable_mosaic.version = 14 : i64} {
  func.func @_sc_agg_body(%arg0: i32, %arg1: i32, %arg2: memref<10000x128xf32, #tpu.memory_space<hbm>>, %arg3: memref<2x32x80x125xi32, #tpu.memory_space<hbm>>, %arg4: memref<2x10240x128xf32, #tpu.memory_space<hbm>>, %arg5: memref<40x125xi32, #tpu.memory_space<vmem>>, %arg6: memref<40x125xi32, #tpu.memory_space<vmem>>, %arg7: memref<2x125x128xf32, #tpu.memory_space<vmem>>, %arg8: memref<10240x128xf32, #tpu.memory_space<vmem_shared>>, %arg9: memref<!tpu.dma_semaphore, #tpu.memory_space<semaphore_mem>>, %arg10: memref<!tpu.dma_semaphore, #tpu.memory_space<semaphore_mem>>, %arg11: memref<!tpu.dma_semaphore, #tpu.memory_space<semaphore_mem>>, %arg12: memref<!tpu.dma_semaphore, #tpu.memory_space<semaphore_mem>>) attributes {dimension_semantics = [#tpu.dimension_semantics<core_parallel>, #tpu.dimension_semantics<subcore_parallel>], iteration_bounds = array<i64: 2, 16>, scalar_prefetch = 0 : i64, scratch_operands = 8 : i64, tpu.core_type = #tpu.core_type<sc_vector_subcore>, window_params = [{transform_indices = #map}, {transform_indices = #map1}, {transform_indices = #map2}]} {
    %mul3A = arith.constant 16 : i32
    %mul3A_0 = arith.muli %arg0, %mul3A : i32
    %add3A = arith.addi %mul3A_0, %arg1 : i32
    %mul3A_1 = arith.constant 640 : i32
    %mul3A_2 = arith.muli %arg1, %mul3A_1 : i32
    %run_scoped3A = arith.constant 0 : i32
    "tpu.region"() ({
      %run_scoped3A_89 = tpu.sem_alloc : memref<!tpu.dma_semaphore, #tpu.memory_space<semaphore_mem>>
      %dma_start3A_90 = arith.constant 0 : i32
      %dma_start3A_91 = arith.constant 0 : i32
      %dma_start3A_92 = tpu.memref_slice %arg3[%run_scoped3A, %add3A, %dma_start3A_90, %dma_start3A_91] : memref<2x32x80x125xi32, #tpu.memory_space<hbm>> -> memref<1x1x40x125xi32, #tpu.memory_space<hbm>>
      %dma_start3A_93 = tpu.memref_squeeze %dma_start3A_92 : memref<1x1x40x125xi32, #tpu.memory_space<hbm>> -> memref<40x125xi32, #tpu.memory_space<hbm>>
      %dma_start3A_94 = arith.constant 0 : i32
      %dma_start3A_95 = arith.constant 0 : i32
      %dma_start3A_96 = tpu.memref_slice %arg3[%run_scoped3A, %add3A, %dma_start3A_94, %dma_start3A_95] : memref<2x32x80x125xi32, #tpu.memory_space<hbm>> -> memref<1x1x40x125xi32, #tpu.memory_space<hbm>>
      %dma_start3A_97 = tpu.memref_squeeze %dma_start3A_96 : memref<1x1x40x125xi32, #tpu.memory_space<hbm>> -> memref<40x125xi32, #tpu.memory_space<hbm>>
      tpu.enqueue_dma source(%dma_start3A_97 : memref<40x125xi32, #tpu.memory_space<hbm>>) target(%arg5 : memref<40x125xi32, #tpu.memory_space<vmem>>) target_semaphore(%run_scoped3A_89 : memref<!tpu.dma_semaphore, #tpu.memory_space<semaphore_mem>>)
      %dma_wait3A = arith.constant 0 : i32
      %dma_wait3A_98 = arith.constant 0 : i32
      %dma_wait3A_99 = tpu.memref_slice %arg3[%run_scoped3A, %add3A, %dma_wait3A, %dma_wait3A_98] : memref<2x32x80x125xi32, #tpu.memory_space<hbm>> -> memref<1x1x40x125xi32, #tpu.memory_space<hbm>>
      %dma_wait3A_100 = tpu.memref_squeeze %dma_wait3A_99 : memref<1x1x40x125xi32, #tpu.memory_space<hbm>> -> memref<40x125xi32, #tpu.memory_space<hbm>>
      %dma_wait3A_101 = arith.constant 0 : i32
      %dma_wait3A_102 = arith.constant 0 : i32
      %dma_wait3A_103 = tpu.memref_slice %arg3[%run_scoped3A, %add3A, %dma_wait3A_101, %dma_wait3A_102] : memref<2x32x80x125xi32, #tpu.memory_space<hbm>> -> memref<1x1x40x125xi32, #tpu.memory_space<hbm>>
      %dma_wait3A_104 = tpu.memref_squeeze %dma_wait3A_103 : memref<1x1x40x125xi32, #tpu.memory_space<hbm>> -> memref<40x125xi32, #tpu.memory_space<hbm>>
      tpu.wait_dma2 semaphore(%run_scoped3A_89 : memref<!tpu.dma_semaphore, #tpu.memory_space<semaphore_mem>>) src(%dma_wait3A_104 : memref<40x125xi32, #tpu.memory_space<hbm>>) dst(%arg5 : memref<40x125xi32, #tpu.memory_space<vmem>>)
      tpu.yield
    }) : () -> ()
    %run_scoped3A_3 = arith.constant 1 : i32
    "tpu.region"() ({
      %run_scoped3A_89 = tpu.sem_alloc : memref<!tpu.dma_semaphore, #tpu.memory_space<semaphore_mem>>
      %dma_start3A_90 = arith.constant 0 : i32
      %dma_start3A_91 = arith.constant 0 : i32
      %dma_start3A_92 = tpu.memref_slice %arg3[%run_scoped3A_3, %add3A, %dma_start3A_90, %dma_start3A_91] : memref<2x32x80x125xi32, #tpu.memory_space<hbm>> -> memref<1x1x40x125xi32, #tpu.memory_space<hbm>>
      %dma_start3A_93 = tpu.memref_squeeze %dma_start3A_92 : memref<1x1x40x125xi32, #tpu.memory_space<hbm>> -> memref<40x125xi32, #tpu.memory_space<hbm>>
      %dma_start3A_94 = arith.constant 0 : i32
      %dma_start3A_95 = arith.constant 0 : i32
      %dma_start3A_96 = tpu.memref_slice %arg3[%run_scoped3A_3, %add3A, %dma_start3A_94, %dma_start3A_95] : memref<2x32x80x125xi32, #tpu.memory_space<hbm>> -> memref<1x1x40x125xi32, #tpu.memory_space<hbm>>
      %dma_start3A_97 = tpu.memref_squeeze %dma_start3A_96 : memref<1x1x40x125xi32, #tpu.memory_space<hbm>> -> memref<40x125xi32, #tpu.memory_space<hbm>>
      tpu.enqueue_dma source(%dma_start3A_97 : memref<40x125xi32, #tpu.memory_space<hbm>>) target(%arg6 : memref<40x125xi32, #tpu.memory_space<vmem>>) target_semaphore(%run_scoped3A_89 : memref<!tpu.dma_semaphore, #tpu.memory_space<semaphore_mem>>)
      %dma_wait3A = arith.constant 0 : i32
      %dma_wait3A_98 = arith.constant 0 : i32
      %dma_wait3A_99 = tpu.memref_slice %arg3[%run_scoped3A_3, %add3A, %dma_wait3A, %dma_wait3A_98] : memref<2x32x80x125xi32, #tpu.memory_space<hbm>> -> memref<1x1x40x125xi32, #tpu.memory_space<hbm>>
      %dma_wait3A_100 = tpu.memref_squeeze %dma_wait3A_99 : memref<1x1x40x125xi32, #tpu.memory_space<hbm>> -> memref<40x125xi32, #tpu.memory_space<hbm>>
      %dma_wait3A_101 = arith.constant 0 : i32
      %dma_wait3A_102 = arith.constant 0 : i32
      %dma_wait3A_103 = tpu.memref_slice %arg3[%run_scoped3A_3, %add3A, %dma_wait3A_101, %dma_wait3A_102] : memref<2x32x80x125xi32, #tpu.memory_space<hbm>> -> memref<1x1x40x125xi32, #tpu.memory_space<hbm>>
      %dma_wait3A_104 = tpu.memref_squeeze %dma_wait3A_103 : memref<1x1x40x125xi32, #tpu.memory_space<hbm>> -> memref<40x125xi32, #tpu.memory_space<hbm>>
      tpu.wait_dma2 semaphore(%run_scoped3A_89 : memref<!tpu.dma_semaphore, #tpu.memory_space<semaphore_mem>>) src(%dma_wait3A_104 : memref<40x125xi32, #tpu.memory_space<hbm>>) dst(%arg6 : memref<40x125xi32, #tpu.memory_space<vmem>>)
      tpu.yield
    }) : () -> ()
    %dma_start3A = arith.constant 1 : i32
    %dma_start3A_4 = arith.constant 1 : i32
    %dma_start3A_5 = arith.constant 0 : i32
    %dma_start3A_6 = arith.constant 0 : i32
    %dma_start3A_7 = tpu.memref_slice %arg7[%dma_start3A_4, %dma_start3A_5, %dma_start3A_6] : memref<2x125x128xf32, #tpu.memory_space<vmem>> -> memref<1x125x128xf32, #tpu.memory_space<vmem>>
    %dma_start3A_8 = tpu.memref_squeeze %dma_start3A_7 : memref<1x125x128xf32, #tpu.memory_space<vmem>> -> memref<125x128xf32, #tpu.memory_space<vmem>>
    %dma_start3A_9 = arith.constant 0 : i32
    %dma_start3A_10 = tpu.memref_slice %arg5[%dma_start3A, %dma_start3A_9] : memref<40x125xi32, #tpu.memory_space<vmem>> -> memref<1x125xi32, #tpu.memory_space<vmem>>
    %dma_start3A_11 = tpu.memref_squeeze %dma_start3A_10 : memref<1x125xi32, #tpu.memory_space<vmem>> -> memref<125xi32, #tpu.memory_space<vmem>>
    %dma_start3A_12 = arith.constant 0 : i32
    %dma_start3A_13 = arith.constant 0 : i32
    %dma_start3A_14 = tpu.memref_slice %arg2[%dma_start3A_12, %dma_start3A_13] : memref<10000x128xf32, #tpu.memory_space<hbm>> -> memref<10000x128xf32, #tpu.memory_space<hbm>>
    tpu.enqueue_indirect_dma source(%dma_start3A_14 : memref<10000x128xf32, #tpu.memory_space<hbm>>) target(%dma_start3A_8 : memref<125x128xf32, #tpu.memory_space<vmem>>) offsets(%dma_start3A_11 : memref<125xi32, #tpu.memory_space<vmem>>) semaphore(%arg10 : memref<!tpu.dma_semaphore, #tpu.memory_space<semaphore_mem>>)
    %scan3A = arith.constant 0 : i32
    %scan3A_15 = arith.constant 0 : i32
    %scan3A_16 = arith.constant 125 : i32
    %scan3A_17 = arith.addi %scan3A_15, %scan3A_16 : i32
    %scan3A_18 = arith.constant 1 : i32
    scf.for %scan3A_89 = %scan3A_15 to %scan3A_17 step %scan3A_18  : i32 {
      %broadcast_in_dim3A = arith.constant 0.000000e+00 : f32
      %broadcast_in_dim3A_90 = vector.broadcast %broadcast_in_dim3A : f32 to vector<16xf32>
      %swap3A = arith.constant 0 : i32
      %swap3A_91 = arith.index_cast %swap3A : i32 to index
      %swap3A_92 = arith.index_cast %scan3A_89 : i32 to index
      %swap3A_93 = arith.constant 0 : index
      %swap3A_94 = tpu.vector_load %arg7[%swap3A_91, %swap3A_92, %swap3A_93] {strides = array<i32>} : memref<2x125x128xf32, #tpu.memory_space<vmem>>, vector<1x1x16xf32>,
      %swap3A_95 = vector.shape_cast %swap3A_94 : vector<1x1x16xf32> to vector<16xf32>
      %swap3A_96 = vector.shape_cast %broadcast_in_dim3A_90 : vector<16xf32> to vector<1x1x16xf32>
      tpu.vector_store %arg7[%swap3A_91, %swap3A_92, %swap3A_93], %swap3A_96 {strides = array<i32>} : memref<2x125x128xf32, #tpu.memory_space<vmem>>, vector<1x1x16xf32>,
      %broadcast_in_dim3A_97 = arith.constant 0.000000e+00 : f32
      %broadcast_in_dim3A_98 = vector.broadcast %broadcast_in_dim3A_97 : f32 to vector<16xf32>
      %swap3A_99 = arith.constant 0 : i32
      %swap3A_100 = arith.index_cast %swap3A_99 : i32 to index
      %swap3A_101 = arith.index_cast %scan3A_89 : i32 to index
      %swap3A_102 = arith.constant 16 : index
      %swap3A_103 = tpu.vector_load %arg7[%swap3A_100, %swap3A_101, %swap3A_102] {strides = array<i32>} : memref<2x125x128xf32, #tpu.memory_space<vmem>>, vector<1x1x16xf32>,
      %swap3A_104 = vector.shape_cast %swap3A_103 : vector<1x1x16xf32> to vector<16xf32>
      %swap3A_105 = vector.shape_cast %broadcast_in_dim3A_98 : vector<16xf32> to vector<1x1x16xf32>
      tpu.vector_store %arg7[%swap3A_100, %swap3A_101, %swap3A_102], %swap3A_105 {strides = array<i32>} : memref<2x125x128xf32, #tpu.memory_space<vmem>>, vector<1x1x16xf32>,
      %broadcast_in_dim3A_106 = arith.constant 0.000000e+00 : f32
      %broadcast_in_dim3A_107 = vector.broadcast %broadcast_in_dim3A_106 : f32 to vector<16xf32>
      %swap3A_108 = arith.constant 0 : i32
      %swap3A_109 = arith.index_cast %swap3A_108 : i32 to index
      %swap3A_110 = arith.index_cast %scan3A_89 : i32 to index
      %swap3A_111 = arith.constant 32 : index
      %swap3A_112 = tpu.vector_load %arg7[%swap3A_109, %swap3A_110, %swap3A_111] {strides = array<i32>} : memref<2x125x128xf32, #tpu.memory_space<vmem>>, vector<1x1x16xf32>,
      %swap3A_113 = vector.shape_cast %swap3A_112 : vector<1x1x16xf32> to vector<16xf32>
      %swap3A_114 = vector.shape_cast %broadcast_in_dim3A_107 : vector<16xf32> to vector<1x1x16xf32>
      tpu.vector_store %arg7[%swap3A_109, %swap3A_110, %swap3A_111], %swap3A_114 {strides = array<i32>} : memref<2x125x128xf32, #tpu.memory_space<vmem>>, vector<1x1x16xf32>,
      %broadcast_in_dim3A_115 = arith.constant 0.000000e+00 : f32
      %broadcast_in_dim3A_116 = vector.broadcast %broadcast_in_dim3A_115 : f32 to vector<16xf32>
      %swap3A_117 = arith.constant 0 : i32
      %swap3A_118 = arith.index_cast %swap3A_117 : i32 to index
      %swap3A_119 = arith.index_cast %scan3A_89 : i32 to index
      %swap3A_120 = arith.constant 48 : index
      %swap3A_121 = tpu.vector_load %arg7[%swap3A_118, %swap3A_119, %swap3A_120] {strides = array<i32>} : memref<2x125x128xf32, #tpu.memory_space<vmem>>, vector<1x1x16xf32>,
      %swap3A_122 = vector.shape_cast %swap3A_121 : vector<1x1x16xf32> to vector<16xf32>
      %swap3A_123 = vector.shape_cast %broadcast_in_dim3A_116 : vector<16xf32> to vector<1x1x16xf32>
      tpu.vector_store %arg7[%swap3A_118, %swap3A_119, %swap3A_120], %swap3A_123 {strides = array<i32>} : memref<2x125x128xf32, #tpu.memory_space<vmem>>, vector<1x1x16xf32>,
      %broadcast_in_dim3A_124 = arith.constant 0.000000e+00 : f32
      %broadcast_in_dim3A_125 = vector.broadcast %broadcast_in_dim3A_124 : f32 to vector<16xf32>
      %swap3A_126 = arith.constant 0 : i32
      %swap3A_127 = arith.index_cast %swap3A_126 : i32 to index
      %swap3A_128 = arith.index_cast %scan3A_89 : i32 to index
      %swap3A_129 = arith.constant 64 : index
      %swap3A_130 = tpu.vector_load %arg7[%swap3A_127, %swap3A_128, %swap3A_129] {strides = array<i32>} : memref<2x125x128xf32, #tpu.memory_space<vmem>>, vector<1x1x16xf32>,
      %swap3A_131 = vector.shape_cast %swap3A_130 : vector<1x1x16xf32> to vector<16xf32>
      %swap3A_132 = vector.shape_cast %broadcast_in_dim3A_125 : vector<16xf32> to vector<1x1x16xf32>
      tpu.vector_store %arg7[%swap3A_127, %swap3A_128, %swap3A_129], %swap3A_132 {strides = array<i32>} : memref<2x125x128xf32, #tpu.memory_space<vmem>>, vector<1x1x16xf32>,
      %broadcast_in_dim3A_133 = arith.constant 0.000000e+00 : f32
      %broadcast_in_dim3A_134 = vector.broadcast %broadcast_in_dim3A_133 : f32 to vector<16xf32>
      %swap3A_135 = arith.constant 0 : i32
      %swap3A_136 = arith.index_cast %swap3A_135 : i32 to index
      %swap3A_137 = arith.index_cast %scan3A_89 : i32 to index
      %swap3A_138 = arith.constant 80 : index
      %swap3A_139 = tpu.vector_load %arg7[%swap3A_136, %swap3A_137, %swap3A_138] {strides = array<i32>} : memref<2x125x128xf32, #tpu.memory_space<vmem>>, vector<1x1x16xf32>,
      %swap3A_140 = vector.shape_cast %swap3A_139 : vector<1x1x16xf32> to vector<16xf32>
      %swap3A_141 = vector.shape_cast %broadcast_in_dim3A_134 : vector<16xf32> to vector<1x1x16xf32>
      tpu.vector_store %arg7[%swap3A_136, %swap3A_137, %swap3A_138], %swap3A_141 {strides = array<i32>} : memref<2x125x128xf32, #tpu.memory_space<vmem>>, vector<1x1x16xf32>,
      %broadcast_in_dim3A_142 = arith.constant 0.000000e+00 : f32
      %broadcast_in_dim3A_143 = vector.broadcast %broadcast_in_dim3A_142 : f32 to vector<16xf32>
      %swap3A_144 = arith.constant 0 : i32
      %swap3A_145 = arith.index_cast %swap3A_144 : i32 to index
      %swap3A_146 = arith.index_cast %scan3A_89 : i32 to index
      %swap3A_147 = arith.constant 96 : index
      %swap3A_148 = tpu.vector_load %arg7[%swap3A_145, %swap3A_146, %swap3A_147] {strides = array<i32>} : memref<2x125x128xf32, #tpu.memory_space<vmem>>, vector<1x1x16xf32>,
      %swap3A_149 = vector.shape_cast %swap3A_148 : vector<1x1x16xf32> to vector<16xf32>
      %swap3A_150 = vector.shape_cast %broadcast_in_dim3A_143 : vector<16xf32> to vector<1x1x16xf32>
      tpu.vector_store %arg7[%swap3A_145, %swap3A_146, %swap3A_147], %swap3A_150 {strides = array<i32>} : memref<2x125x128xf32, #tpu.memory_space<vmem>>, vector<1x1x16xf32>,
      %broadcast_in_dim3A_151 = arith.constant 0.000000e+00 : f32
      %broadcast_in_dim3A_152 = vector.broadcast %broadcast_in_dim3A_151 : f32 to vector<16xf32>
      %swap3A_153 = arith.constant 0 : i32
      %swap3A_154 = arith.index_cast %swap3A_153 : i32 to index
      %swap3A_155 = arith.index_cast %scan3A_89 : i32 to index
      %swap3A_156 = arith.constant 112 : index
      %swap3A_157 = tpu.vector_load %arg7[%swap3A_154, %swap3A_155, %swap3A_156] {strides = array<i32>} : memref<2x125x128xf32, #tpu.memory_space<vmem>>, vector<1x1x16xf32>,
      %swap3A_158 = vector.shape_cast %swap3A_157 : vector<1x1x16xf32> to vector<16xf32>
      %swap3A_159 = vector.shape_cast %broadcast_in_dim3A_152 : vector<16xf32> to vector<1x1x16xf32>
      tpu.vector_store %arg7[%swap3A_154, %swap3A_155, %swap3A_156], %swap3A_159 {strides = array<i32>} : memref<2x125x128xf32, #tpu.memory_space<vmem>>, vector<1x1x16xf32>,
    }
    %scan3A_19 = arith.constant 125 : i32
    %add3A_20 = arith.constant 0 : i32
    %add3A_21 = arith.addi %mul3A_2, %add3A_20 : i32
    %run_scoped3A_22 = arith.constant 0 : i32
    "tpu.region"() ({
      %run_scoped3A_89 = tpu.sem_alloc : memref<!tpu.dma_semaphore, #tpu.memory_space<semaphore_mem>>
      %dma_start3A_90 = arith.constant 0 : i32
      %dma_start3A_91 = arith.constant 0 : i32
      %dma_start3A_92 = tpu.memref_slice %arg7[%run_scoped3A_22, %dma_start3A_90, %dma_start3A_91] : memref<2x125x128xf32, #tpu.memory_space<vmem>> -> memref<1x125x128xf32, #tpu.memory_space<vmem>>
      %dma_start3A_93 = tpu.memref_squeeze %dma_start3A_92 : memref<1x125x128xf32, #tpu.memory_space<vmem>> -> memref<125x128xf32, #tpu.memory_space<vmem>>
      %dma_start3A_94 = arith.constant 0 : i32
      %dma_start3A_95 = tpu.memref_slice %arg8[%add3A_21, %dma_start3A_94] : memref<10240x128xf32, #tpu.memory_space<vmem_shared>> -> memref<125x128xf32, #tpu.memory_space<vmem_shared>>
      %dma_start3A_96 = arith.constant 0 : i32
      %dma_start3A_97 = tpu.memref_slice %arg8[%add3A_21, %dma_start3A_96] : memref<10240x128xf32, #tpu.memory_space<vmem_shared>> -> memref<125x128xf32, #tpu.memory_space<vmem_shared>>
      %dma_start3A_98 = arith.constant 0 : i32
      %dma_start3A_99 = arith.constant 0 : i32
      %dma_start3A_100 = tpu.memref_slice %arg7[%run_scoped3A_22, %dma_start3A_98, %dma_start3A_99] : memref<2x125x128xf32, #tpu.memory_space<vmem>> -> memref<1x125x128xf32, #tpu.memory_space<vmem>>
      %dma_start3A_101 = tpu.memref_squeeze %dma_start3A_100 : memref<1x125x128xf32, #tpu.memory_space<vmem>> -> memref<125x128xf32, #tpu.memory_space<vmem>>
      tpu.enqueue_dma source(%dma_start3A_101 : memref<125x128xf32, #tpu.memory_space<vmem>>) target(%dma_start3A_97 : memref<125x128xf32, #tpu.memory_space<vmem_shared>>) target_semaphore(%run_scoped3A_89 : memref<!tpu.dma_semaphore, #tpu.memory_space<semaphore_mem>>)
      %dma_wait3A = arith.constant 0 : i32
      %dma_wait3A_102 = arith.constant 0 : i32
      %dma_wait3A_103 = tpu.memref_slice %arg7[%run_scoped3A_22, %dma_wait3A, %dma_wait3A_102] : memref<2x125x128xf32, #tpu.memory_space<vmem>> -> memref<1x125x128xf32, #tpu.memory_space<vmem>>
      %dma_wait3A_104 = tpu.memref_squeeze %dma_wait3A_103 : memref<1x125x128xf32, #tpu.memory_space<vmem>> -> memref<125x128xf32, #tpu.memory_space<vmem>>
      %dma_wait3A_105 = arith.constant 0 : i32
      %dma_wait3A_106 = tpu.memref_slice %arg8[%add3A_21, %dma_wait3A_105] : memref<10240x128xf32, #tpu.memory_space<vmem_shared>> -> memref<125x128xf32, #tpu.memory_space<vmem_shared>>
      %dma_wait3A_107 = arith.constant 0 : i32
      %dma_wait3A_108 = tpu.memref_slice %arg8[%add3A_21, %dma_wait3A_107] : memref<10240x128xf32, #tpu.memory_space<vmem_shared>> -> memref<125x128xf32, #tpu.memory_space<vmem_shared>>
      %dma_wait3A_109 = arith.constant 0 : i32
      %dma_wait3A_110 = arith.constant 0 : i32
      %dma_wait3A_111 = tpu.memref_slice %arg7[%run_scoped3A_22, %dma_wait3A_109, %dma_wait3A_110] : memref<2x125x128xf32, #tpu.memory_space<vmem>> -> memref<1x125x128xf32, #tpu.memory_space<vmem>>
      %dma_wait3A_112 = tpu.memref_squeeze %dma_wait3A_111 : memref<1x125x128xf32, #tpu.memory_space<vmem>> -> memref<125x128xf32, #tpu.memory_space<vmem>>
      tpu.wait_dma2 semaphore(%run_scoped3A_89 : memref<!tpu.dma_semaphore, #tpu.memory_space<semaphore_mem>>) src(%dma_wait3A_112 : memref<125x128xf32, #tpu.memory_space<vmem>>) dst(%dma_wait3A_108 : memref<125x128xf32, #tpu.memory_space<vmem_shared>>)
      tpu.yield
    }) : () -> ()
    %add3A_23 = arith.constant 125 : i32
    %add3A_24 = arith.addi %mul3A_2, %add3A_23 : i32
    %run_scoped3A_25 = arith.constant 0 : i32
    "tpu.region"() ({
      %run_scoped3A_89 = tpu.sem_alloc : memref<!tpu.dma_semaphore, #tpu.memory_space<semaphore_mem>>
      %dma_start3A_90 = arith.constant 0 : i32
      %dma_start3A_91 = arith.constant 0 : i32
      %dma_start3A_92 = tpu.memref_slice %arg7[%run_scoped3A_25, %dma_start3A_90, %dma_start3A_91] : memref<2x125x128xf32, #tpu.memory_space<vmem>> -> memref<1x125x128xf32, #tpu.memory_space<vmem>>
      %dma_start3A_93 = tpu.memref_squeeze %dma_start3A_92 : memref<1x125x128xf32, #tpu.memory_space<vmem>> -> memref<125x128xf32, #tpu.memory_space<vmem>>
      %dma_start3A_94 = arith.constant 0 : i32
      %dma_start3A_95 = tpu.memref_slice %arg8[%add3A_24, %dma_start3A_94] : memref<10240x128xf32, #tpu.memory_space<vmem_shared>> -> memref<125x128xf32, #tpu.memory_space<vmem_shared>>
      %dma_start3A_96 = arith.constant 0 : i32
      %dma_start3A_97 = tpu.memref_slice %arg8[%add3A_24, %dma_start3A_96] : memref<10240x128xf32, #tpu.memory_space<vmem_shared>> -> memref<125x128xf32, #tpu.memory_space<vmem_shared>>
      %dma_start3A_98 = arith.constant 0 : i32
      %dma_start3A_99 = arith.constant 0 : i32
      %dma_start3A_100 = tpu.memref_slice %arg7[%run_scoped3A_25, %dma_start3A_98, %dma_start3A_99] : memref<2x125x128xf32, #tpu.memory_space<vmem>> -> memref<1x125x128xf32, #tpu.memory_space<vmem>>
      %dma_start3A_101 = tpu.memref_squeeze %dma_start3A_100 : memref<1x125x128xf32, #tpu.memory_space<vmem>> -> memref<125x128xf32, #tpu.memory_space<vmem>>
      tpu.enqueue_dma source(%dma_start3A_101 : memref<125x128xf32, #tpu.memory_space<vmem>>) target(%dma_start3A_97 : memref<125x128xf32, #tpu.memory_space<vmem_shared>>) target_semaphore(%run_scoped3A_89 : memref<!tpu.dma_semaphore, #tpu.memory_space<semaphore_mem>>)
      %dma_wait3A = arith.constant 0 : i32
      %dma_wait3A_102 = arith.constant 0 : i32
      %dma_wait3A_103 = tpu.memref_slice %arg7[%run_scoped3A_25, %dma_wait3A, %dma_wait3A_102] : memref<2x125x128xf32, #tpu.memory_space<vmem>> -> memref<1x125x128xf32, #tpu.memory_space<vmem>>
      %dma_wait3A_104 = tpu.memref_squeeze %dma_wait3A_103 : memref<1x125x128xf32, #tpu.memory_space<vmem>> -> memref<125x128xf32, #tpu.memory_space<vmem>>
      %dma_wait3A_105 = arith.constant 0 : i32
      %dma_wait3A_106 = tpu.memref_slice %arg8[%add3A_24, %dma_wait3A_105] : memref<10240x128xf32, #tpu.memory_space<vmem_shared>> -> memref<125x128xf32, #tpu.memory_space<vmem_shared>>
      %dma_wait3A_107 = arith.constant 0 : i32
      %dma_wait3A_108 = tpu.memref_slice %arg8[%add3A_24, %dma_wait3A_107] : memref<10240x128xf32, #tpu.memory_space<vmem_shared>> -> memref<125x128xf32, #tpu.memory_space<vmem_shared>>
      %dma_wait3A_109 = arith.constant 0 : i32
      %dma_wait3A_110 = arith.constant 0 : i32
      %dma_wait3A_111 = tpu.memref_slice %arg7[%run_scoped3A_25, %dma_wait3A_109, %dma_wait3A_110] : memref<2x125x128xf32, #tpu.memory_space<vmem>> -> memref<1x125x128xf32, #tpu.memory_space<vmem>>
      %dma_wait3A_112 = tpu.memref_squeeze %dma_wait3A_111 : memref<1x125x128xf32, #tpu.memory_space<vmem>> -> memref<125x128xf32, #tpu.memory_space<vmem>>
      tpu.wait_dma2 semaphore(%run_scoped3A_89 : memref<!tpu.dma_semaphore, #tpu.memory_space<semaphore_mem>>) src(%dma_wait3A_112 : memref<125x128xf32, #tpu.memory_space<vmem>>) dst(%dma_wait3A_108 : memref<125x128xf32, #tpu.memory_space<vmem_shared>>)
      tpu.yield
    }) : () -> ()
    %add3A_26 = arith.constant 250 : i32
    %add3A_27 = arith.addi %mul3A_2, %add3A_26 : i32
    %run_scoped3A_28 = arith.constant 0 : i32
    "tpu.region"() ({
      %run_scoped3A_89 = tpu.sem_alloc : memref<!tpu.dma_semaphore, #tpu.memory_space<semaphore_mem>>
      %dma_start3A_90 = arith.constant 0 : i32
      %dma_start3A_91 = arith.constant 0 : i32
      %dma_start3A_92 = tpu.memref_slice %arg7[%run_scoped3A_28, %dma_start3A_90, %dma_start3A_91] : memref<2x125x128xf32, #tpu.memory_space<vmem>> -> memref<1x125x128xf32, #tpu.memory_space<vmem>>
      %dma_start3A_93 = tpu.memref_squeeze %dma_start3A_92 : memref<1x125x128xf32, #tpu.memory_space<vmem>> -> memref<125x128xf32, #tpu.memory_space<vmem>>
      %dma_start3A_94 = arith.constant 0 : i32
      %dma_start3A_95 = tpu.memref_slice %arg8[%add3A_27, %dma_start3A_94] : memref<10240x128xf32, #tpu.memory_space<vmem_shared>> -> memref<125x128xf32, #tpu.memory_space<vmem_shared>>
      %dma_start3A_96 = arith.constant 0 : i32
      %dma_start3A_97 = tpu.memref_slice %arg8[%add3A_27, %dma_start3A_96] : memref<10240x128xf32, #tpu.memory_space<vmem_shared>> -> memref<125x128xf32, #tpu.memory_space<vmem_shared>>
      %dma_start3A_98 = arith.constant 0 : i32
      %dma_start3A_99 = arith.constant 0 : i32
      %dma_start3A_100 = tpu.memref_slice %arg7[%run_scoped3A_28, %dma_start3A_98, %dma_start3A_99] : memref<2x125x128xf32, #tpu.memory_space<vmem>> -> memref<1x125x128xf32, #tpu.memory_space<vmem>>
      %dma_start3A_101 = tpu.memref_squeeze %dma_start3A_100 : memref<1x125x128xf32, #tpu.memory_space<vmem>> -> memref<125x128xf32, #tpu.memory_space<vmem>>
      tpu.enqueue_dma source(%dma_start3A_101 : memref<125x128xf32, #tpu.memory_space<vmem>>) target(%dma_start3A_97 : memref<125x128xf32, #tpu.memory_space<vmem_shared>>) target_semaphore(%run_scoped3A_89 : memref<!tpu.dma_semaphore, #tpu.memory_space<semaphore_mem>>)
      %dma_wait3A = arith.constant 0 : i32
      %dma_wait3A_102 = arith.constant 0 : i32
      %dma_wait3A_103 = tpu.memref_slice %arg7[%run_scoped3A_28, %dma_wait3A, %dma_wait3A_102] : memref<2x125x128xf32, #tpu.memory_space<vmem>> -> memref<1x125x128xf32, #tpu.memory_space<vmem>>
      %dma_wait3A_104 = tpu.memref_squeeze %dma_wait3A_103 : memref<1x125x128xf32, #tpu.memory_space<vmem>> -> memref<125x128xf32, #tpu.memory_space<vmem>>
      %dma_wait3A_105 = arith.constant 0 : i32
      %dma_wait3A_106 = tpu.memref_slice %arg8[%add3A_27, %dma_wait3A_105] : memref<10240x128xf32, #tpu.memory_space<vmem_shared>> -> memref<125x128xf32, #tpu.memory_space<vmem_shared>>
      %dma_wait3A_107 = arith.constant 0 : i32
      %dma_wait3A_108 = tpu.memref_slice %arg8[%add3A_27, %dma_wait3A_107] : memref<10240x128xf32, #tpu.memory_space<vmem_shared>> -> memref<125x128xf32, #tpu.memory_space<vmem_shared>>
      %dma_wait3A_109 = arith.constant 0 : i32
      %dma_wait3A_110 = arith.constant 0 : i32
      %dma_wait3A_111 = tpu.memref_slice %arg7[%run_scoped3A_28, %dma_wait3A_109, %dma_wait3A_110] : memref<2x125x128xf32, #tpu.memory_space<vmem>> -> memref<1x125x128xf32, #tpu.memory_space<vmem>>
      %dma_wait3A_112 = tpu.memref_squeeze %dma_wait3A_111 : memref<1x125x128xf32, #tpu.memory_space<vmem>> -> memref<125x128xf32, #tpu.memory_space<vmem>>
      tpu.wait_dma2 semaphore(%run_scoped3A_89 : memref<!tpu.dma_semaphore, #tpu.memory_space<semaphore_mem>>) src(%dma_wait3A_112 : memref<125x128xf32, #tpu.memory_space<vmem>>) dst(%dma_wait3A_108 : memref<125x128xf32, #tpu.memory_space<vmem_shared>>)
      tpu.yield
    }) : () -> ()
    %add3A_29 = arith.constant 375 : i32
    %add3A_30 = arith.addi %mul3A_2, %add3A_29 : i32
    %run_scoped3A_31 = arith.constant 0 : i32
    "tpu.region"() ({
      %run_scoped3A_89 = tpu.sem_alloc : memref<!tpu.dma_semaphore, #tpu.memory_space<semaphore_mem>>
      %dma_start3A_90 = arith.constant 0 : i32
      %dma_start3A_91 = arith.constant 0 : i32
      %dma_start3A_92 = tpu.memref_slice %arg7[%run_scoped3A_31, %dma_start3A_90, %dma_start3A_91] : memref<2x125x128xf32, #tpu.memory_space<vmem>> -> memref<1x125x128xf32, #tpu.memory_space<vmem>>
      %dma_start3A_93 = tpu.memref_squeeze %dma_start3A_92 : memref<1x125x128xf32, #tpu.memory_space<vmem>> -> memref<125x128xf32, #tpu.memory_space<vmem>>
      %dma_start3A_94 = arith.constant 0 : i32
      %dma_start3A_95 = tpu.memref_slice %arg8[%add3A_30, %dma_start3A_94] : memref<10240x128xf32, #tpu.memory_space<vmem_shared>> -> memref<125x128xf32, #tpu.memory_space<vmem_shared>>
      %dma_start3A_96 = arith.constant 0 : i32
      %dma_start3A_97 = tpu.memref_slice %arg8[%add3A_30, %dma_start3A_96] : memref<10240x128xf32, #tpu.memory_space<vmem_shared>> -> memref<125x128xf32, #tpu.memory_space<vmem_shared>>
      %dma_start3A_98 = arith.constant 0 : i32
      %dma_start3A_99 = arith.constant 0 : i32
      %dma_start3A_100 = tpu.memref_slice %arg7[%run_scoped3A_31, %dma_start3A_98, %dma_start3A_99] : memref<2x125x128xf32, #tpu.memory_space<vmem>> -> memref<1x125x128xf32, #tpu.memory_space<vmem>>
      %dma_start3A_101 = tpu.memref_squeeze %dma_start3A_100 : memref<1x125x128xf32, #tpu.memory_space<vmem>> -> memref<125x128xf32, #tpu.memory_space<vmem>>
      tpu.enqueue_dma source(%dma_start3A_101 : memref<125x128xf32, #tpu.memory_space<vmem>>) target(%dma_start3A_97 : memref<125x128xf32, #tpu.memory_space<vmem_shared>>) target_semaphore(%run_scoped3A_89 : memref<!tpu.dma_semaphore, #tpu.memory_space<semaphore_mem>>)
      %dma_wait3A = arith.constant 0 : i32
      %dma_wait3A_102 = arith.constant 0 : i32
      %dma_wait3A_103 = tpu.memref_slice %arg7[%run_scoped3A_31, %dma_wait3A, %dma_wait3A_102] : memref<2x125x128xf32, #tpu.memory_space<vmem>> -> memref<1x125x128xf32, #tpu.memory_space<vmem>>
      %dma_wait3A_104 = tpu.memref_squeeze %dma_wait3A_103 : memref<1x125x128xf32, #tpu.memory_space<vmem>> -> memref<125x128xf32, #tpu.memory_space<vmem>>
      %dma_wait3A_105 = arith.constant 0 : i32
      %dma_wait3A_106 = tpu.memref_slice %arg8[%add3A_30, %dma_wait3A_105] : memref<10240x128xf32, #tpu.memory_space<vmem_shared>> -> memref<125x128xf32, #tpu.memory_space<vmem_shared>>
      %dma_wait3A_107 = arith.constant 0 : i32
      %dma_wait3A_108 = tpu.memref_slice %arg8[%add3A_30, %dma_wait3A_107] : memref<10240x128xf32, #tpu.memory_space<vmem_shared>> -> memref<125x128xf32, #tpu.memory_space<vmem_shared>>
      %dma_wait3A_109 = arith.constant 0 : i32
      %dma_wait3A_110 = arith.constant 0 : i32
      %dma_wait3A_111 = tpu.memref_slice %arg7[%run_scoped3A_31, %dma_wait3A_109, %dma_wait3A_110] : memref<2x125x128xf32, #tpu.memory_space<vmem>> -> memref<1x125x128xf32, #tpu.memory_space<vmem>>
      %dma_wait3A_112 = tpu.memref_squeeze %dma_wait3A_111 : memref<1x125x128xf32, #tpu.memory_space<vmem>> -> memref<125x128xf32, #tpu.memory_space<vmem>>
      tpu.wait_dma2 semaphore(%run_scoped3A_89 : memref<!tpu.dma_semaphore, #tpu.memory_space<semaphore_mem>>) src(%dma_wait3A_112 : memref<125x128xf32, #tpu.memory_space<vmem>>) dst(%dma_wait3A_108 : memref<125x128xf32, #tpu.memory_space<vmem_shared>>)
      tpu.yield
    }) : () -> ()
    %add3A_32 = arith.constant 500 : i32
    %add3A_33 = arith.addi %mul3A_2, %add3A_32 : i32
    %run_scoped3A_34 = arith.constant 0 : i32
    "tpu.region"() ({
      %run_scoped3A_89 = tpu.sem_alloc : memref<!tpu.dma_semaphore, #tpu.memory_space<semaphore_mem>>
      %dma_start3A_90 = arith.constant 0 : i32
      %dma_start3A_91 = arith.constant 0 : i32
      %dma_start3A_92 = tpu.memref_slice %arg7[%run_scoped3A_34, %dma_start3A_90, %dma_start3A_91] : memref<2x125x128xf32, #tpu.memory_space<vmem>> -> memref<1x125x128xf32, #tpu.memory_space<vmem>>
      %dma_start3A_93 = tpu.memref_squeeze %dma_start3A_92 : memref<1x125x128xf32, #tpu.memory_space<vmem>> -> memref<125x128xf32, #tpu.memory_space<vmem>>
      %dma_start3A_94 = arith.constant 0 : i32
      %dma_start3A_95 = tpu.memref_slice %arg8[%add3A_33, %dma_start3A_94] : memref<10240x128xf32, #tpu.memory_space<vmem_shared>> -> memref<125x128xf32, #tpu.memory_space<vmem_shared>>
      %dma_start3A_96 = arith.constant 0 : i32
      %dma_start3A_97 = tpu.memref_slice %arg8[%add3A_33, %dma_start3A_96] : memref<10240x128xf32, #tpu.memory_space<vmem_shared>> -> memref<125x128xf32, #tpu.memory_space<vmem_shared>>
      %dma_start3A_98 = arith.constant 0 : i32
      %dma_start3A_99 = arith.constant 0 : i32
      %dma_start3A_100 = tpu.memref_slice %arg7[%run_scoped3A_34, %dma_start3A_98, %dma_start3A_99] : memref<2x125x128xf32, #tpu.memory_space<vmem>> -> memref<1x125x128xf32, #tpu.memory_space<vmem>>
      %dma_start3A_101 = tpu.memref_squeeze %dma_start3A_100 : memref<1x125x128xf32, #tpu.memory_space<vmem>> -> memref<125x128xf32, #tpu.memory_space<vmem>>
      tpu.enqueue_dma source(%dma_start3A_101 : memref<125x128xf32, #tpu.memory_space<vmem>>) target(%dma_start3A_97 : memref<125x128xf32, #tpu.memory_space<vmem_shared>>) target_semaphore(%run_scoped3A_89 : memref<!tpu.dma_semaphore, #tpu.memory_space<semaphore_mem>>)
      %dma_wait3A = arith.constant 0 : i32
      %dma_wait3A_102 = arith.constant 0 : i32
      %dma_wait3A_103 = tpu.memref_slice %arg7[%run_scoped3A_34, %dma_wait3A, %dma_wait3A_102] : memref<2x125x128xf32, #tpu.memory_space<vmem>> -> memref<1x125x128xf32, #tpu.memory_space<vmem>>
      %dma_wait3A_104 = tpu.memref_squeeze %dma_wait3A_103 : memref<1x125x128xf32, #tpu.memory_space<vmem>> -> memref<125x128xf32, #tpu.memory_space<vmem>>
      %dma_wait3A_105 = arith.constant 0 : i32
      %dma_wait3A_106 = tpu.memref_slice %arg8[%add3A_33, %dma_wait3A_105] : memref<10240x128xf32, #tpu.memory_space<vmem_shared>> -> memref<125x128xf32, #tpu.memory_space<vmem_shared>>
      %dma_wait3A_107 = arith.constant 0 : i32
      %dma_wait3A_108 = tpu.memref_slice %arg8[%add3A_33, %dma_wait3A_107] : memref<10240x128xf32, #tpu.memory_space<vmem_shared>> -> memref<125x128xf32, #tpu.memory_space<vmem_shared>>
      %dma_wait3A_109 = arith.constant 0 : i32
      %dma_wait3A_110 = arith.constant 0 : i32
      %dma_wait3A_111 = tpu.memref_slice %arg7[%run_scoped3A_34, %dma_wait3A_109, %dma_wait3A_110] : memref<2x125x128xf32, #tpu.memory_space<vmem>> -> memref<1x125x128xf32, #tpu.memory_space<vmem>>
      %dma_wait3A_112 = tpu.memref_squeeze %dma_wait3A_111 : memref<1x125x128xf32, #tpu.memory_space<vmem>> -> memref<125x128xf32, #tpu.memory_space<vmem>>
      tpu.wait_dma2 semaphore(%run_scoped3A_89 : memref<!tpu.dma_semaphore, #tpu.memory_space<semaphore_mem>>) src(%dma_wait3A_112 : memref<125x128xf32, #tpu.memory_space<vmem>>) dst(%dma_wait3A_108 : memref<125x128xf32, #tpu.memory_space<vmem_shared>>)
      tpu.yield
    }) : () -> ()
    %add3A_35 = arith.constant 625 : i32
    %add3A_36 = arith.addi %mul3A_2, %add3A_35 : i32
    %run_scoped3A_37 = arith.constant 0 : i32
    "tpu.region"() ({
      %run_scoped3A_89 = tpu.sem_alloc : memref<!tpu.dma_semaphore, #tpu.memory_space<semaphore_mem>>
      %dma_start3A_90 = arith.constant 0 : i32
      %dma_start3A_91 = arith.constant 0 : i32
      %dma_start3A_92 = tpu.memref_slice %arg7[%run_scoped3A_37, %dma_start3A_90, %dma_start3A_91] : memref<2x125x128xf32, #tpu.memory_space<vmem>> -> memref<1x15x128xf32, #tpu.memory_space<vmem>>
      %dma_start3A_93 = tpu.memref_squeeze %dma_start3A_92 : memref<1x15x128xf32, #tpu.memory_space<vmem>> -> memref<15x128xf32, #tpu.memory_space<vmem>>
      %dma_start3A_94 = arith.constant 0 : i32
      %dma_start3A_95 = tpu.memref_slice %arg8[%add3A_36, %dma_start3A_94] : memref<10240x128xf32, #tpu.memory_space<vmem_shared>> -> memref<15x128xf32, #tpu.memory_space<vmem_shared>>
      %dma_start3A_96 = arith.constant 0 : i32
      %dma_start3A_97 = tpu.memref_slice %arg8[%add3A_36, %dma_start3A_96] : memref<10240x128xf32, #tpu.memory_space<vmem_shared>> -> memref<15x128xf32, #tpu.memory_space<vmem_shared>>
      %dma_start3A_98 = arith.constant 0 : i32
      %dma_start3A_99 = arith.constant 0 : i32
      %dma_start3A_100 = tpu.memref_slice %arg7[%run_scoped3A_37, %dma_start3A_98, %dma_start3A_99] : memref<2x125x128xf32, #tpu.memory_space<vmem>> -> memref<1x15x128xf32, #tpu.memory_space<vmem>>
      %dma_start3A_101 = tpu.memref_squeeze %dma_start3A_100 : memref<1x15x128xf32, #tpu.memory_space<vmem>> -> memref<15x128xf32, #tpu.memory_space<vmem>>
      tpu.enqueue_dma source(%dma_start3A_101 : memref<15x128xf32, #tpu.memory_space<vmem>>) target(%dma_start3A_97 : memref<15x128xf32, #tpu.memory_space<vmem_shared>>) target_semaphore(%run_scoped3A_89 : memref<!tpu.dma_semaphore, #tpu.memory_space<semaphore_mem>>)
      %dma_wait3A = arith.constant 0 : i32
      %dma_wait3A_102 = arith.constant 0 : i32
      %dma_wait3A_103 = tpu.memref_slice %arg7[%run_scoped3A_37, %dma_wait3A, %dma_wait3A_102] : memref<2x125x128xf32, #tpu.memory_space<vmem>> -> memref<1x15x128xf32, #tpu.memory_space<vmem>>
      %dma_wait3A_104 = tpu.memref_squeeze %dma_wait3A_103 : memref<1x15x128xf32, #tpu.memory_space<vmem>> -> memref<15x128xf32, #tpu.memory_space<vmem>>
      %dma_wait3A_105 = arith.constant 0 : i32
      %dma_wait3A_106 = tpu.memref_slice %arg8[%add3A_36, %dma_wait3A_105] : memref<10240x128xf32, #tpu.memory_space<vmem_shared>> -> memref<15x128xf32, #tpu.memory_space<vmem_shared>>
      %dma_wait3A_107 = arith.constant 0 : i32
      %dma_wait3A_108 = tpu.memref_slice %arg8[%add3A_36, %dma_wait3A_107] : memref<10240x128xf32, #tpu.memory_space<vmem_shared>> -> memref<15x128xf32, #tpu.memory_space<vmem_shared>>
      %dma_wait3A_109 = arith.constant 0 : i32
      %dma_wait3A_110 = arith.constant 0 : i32
      %dma_wait3A_111 = tpu.memref_slice %arg7[%run_scoped3A_37, %dma_wait3A_109, %dma_wait3A_110] : memref<2x125x128xf32, #tpu.memory_space<vmem>> -> memref<1x15x128xf32, #tpu.memory_space<vmem>>
      %dma_wait3A_112 = tpu.memref_squeeze %dma_wait3A_111 : memref<1x15x128xf32, #tpu.memory_space<vmem>> -> memref<15x128xf32, #tpu.memory_space<vmem>>
      tpu.wait_dma2 semaphore(%run_scoped3A_89 : memref<!tpu.dma_semaphore, #tpu.memory_space<semaphore_mem>>) src(%dma_wait3A_112 : memref<15x128xf32, #tpu.memory_space<vmem>>) dst(%dma_wait3A_108 : memref<15x128xf32, #tpu.memory_space<vmem_shared>>)
      tpu.yield
    }) : () -> ()
    %dma_start3A_38 = arith.constant 0 : i32
    %dma_start3A_39 = arith.constant 0 : i32
    %dma_start3A_40 = arith.constant 0 : i32
    %dma_start3A_41 = arith.constant 0 : i32
    %dma_start3A_42 = tpu.memref_slice %arg7[%dma_start3A_39, %dma_start3A_40, %dma_start3A_41] : memref<2x125x128xf32, #tpu.memory_space<vmem>> -> memref<1x125x128xf32, #tpu.memory_space<vmem>>
    %dma_start3A_43 = tpu.memref_squeeze %dma_start3A_42 : memref<1x125x128xf32, #tpu.memory_space<vmem>> -> memref<125x128xf32, #tpu.memory_space<vmem>>
    %dma_start3A_44 = arith.constant 0 : i32
    %dma_start3A_45 = tpu.memref_slice %arg5[%dma_start3A_38, %dma_start3A_44] : memref<40x125xi32, #tpu.memory_space<vmem>> -> memref<1x125xi32, #tpu.memory_space<vmem>>
    %dma_start3A_46 = tpu.memref_squeeze %dma_start3A_45 : memref<1x125xi32, #tpu.memory_space<vmem>> -> memref<125xi32, #tpu.memory_space<vmem>>
    %dma_start3A_47 = arith.constant 0 : i32
    %dma_start3A_48 = arith.constant 0 : i32
    %dma_start3A_49 = tpu.memref_slice %arg2[%dma_start3A_47, %dma_start3A_48] : memref<10000x128xf32, #tpu.memory_space<hbm>> -> memref<10000x128xf32, #tpu.memory_space<hbm>>
    tpu.enqueue_indirect_dma source(%dma_start3A_49 : memref<10000x128xf32, #tpu.memory_space<hbm>>) target(%dma_start3A_43 : memref<125x128xf32, #tpu.memory_space<vmem>>) offsets(%dma_start3A_46 : memref<125xi32, #tpu.memory_space<vmem>>) semaphore(%arg9 : memref<!tpu.dma_semaphore, #tpu.memory_space<semaphore_mem>>)
    %barrier3A = arith.constant 0 : index
    tpu.barrier barrier_id(%barrier3A)
    %scan3A_50 = arith.constant 0 : i32
    %scan3A_51 = arith.constant 0 : i32
    %scan3A_52 = arith.constant 20 : i32
    %scan3A_53 = arith.addi %scan3A_51, %scan3A_52 : i32
    %scan3A_54 = arith.constant 1 : i32
    scf.for %scan3A_89 = %scan3A_51 to %scan3A_53 step %scan3A_54  : i32 {
      %mul3A_90 = arith.constant 2 : i32
      %mul3A_91 = arith.muli %mul3A_90, %scan3A_89 : i32
      %add3A_92 = arith.constant 1 : i32
      %add3A_93 = arith.addi %mul3A_91, %add3A_92 : i32
      %dma_wait3A = arith.constant 0 : i32
      %dma_wait3A_94 = arith.constant 0 : i32
      %dma_wait3A_95 = arith.constant 0 : i32
      %dma_wait3A_96 = tpu.memref_slice %arg7[%dma_wait3A, %dma_wait3A_94, %dma_wait3A_95] : memref<2x125x128xf32, #tpu.memory_space<vmem>> -> memref<1x125x128xf32, #tpu.memory_space<vmem>>
      %dma_wait3A_97 = tpu.memref_squeeze %dma_wait3A_96 : memref<1x125x128xf32, #tpu.memory_space<vmem>> -> memref<125x128xf32, #tpu.memory_space<vmem>>
      %dma_wait3A_98 = arith.constant 0 : i32
      %dma_wait3A_99 = tpu.memref_slice %arg5[%mul3A_91, %dma_wait3A_98] : memref<40x125xi32, #tpu.memory_space<vmem>> -> memref<1x125xi32, #tpu.memory_space<vmem>>
      %dma_wait3A_100 = tpu.memref_squeeze %dma_wait3A_99 : memref<1x125xi32, #tpu.memory_space<vmem>> -> memref<125xi32, #tpu.memory_space<vmem>>
      %dma_wait3A_101 = arith.constant 0 : i32
      %dma_wait3A_102 = arith.constant 0 : i32
      %dma_wait3A_103 = tpu.memref_slice %arg2[%dma_wait3A_101, %dma_wait3A_102] : memref<10000x128xf32, #tpu.memory_space<hbm>> -> memref<10000x128xf32, #tpu.memory_space<hbm>>
      tpu.wait_indirect_dma semaphore(%arg9 : memref<!tpu.dma_semaphore, #tpu.memory_space<semaphore_mem>>) src(%dma_wait3A_103 : memref<10000x128xf32, #tpu.memory_space<hbm>>) dst(%dma_wait3A_97 : memref<125x128xf32, #tpu.memory_space<vmem>>)
      %dma_start3A_104 = arith.constant 0 : i32
      %dma_start3A_105 = arith.constant 0 : i32
      %dma_start3A_106 = arith.constant 0 : i32
      %dma_start3A_107 = tpu.memref_slice %arg7[%dma_start3A_104, %dma_start3A_105, %dma_start3A_106] : memref<2x125x128xf32, #tpu.memory_space<vmem>> -> memref<1x125x128xf32, #tpu.memory_space<vmem>>
      %dma_start3A_108 = tpu.memref_squeeze %dma_start3A_107 : memref<1x125x128xf32, #tpu.memory_space<vmem>> -> memref<125x128xf32, #tpu.memory_space<vmem>>
      %dma_start3A_109 = arith.constant 0 : i32
      %dma_start3A_110 = tpu.memref_slice %arg6[%mul3A_91, %dma_start3A_109] : memref<40x125xi32, #tpu.memory_space<vmem>> -> memref<1x125xi32, #tpu.memory_space<vmem>>
      %dma_start3A_111 = tpu.memref_squeeze %dma_start3A_110 : memref<1x125xi32, #tpu.memory_space<vmem>> -> memref<125xi32, #tpu.memory_space<vmem>>
      %dma_start3A_112 = arith.constant 0 : i32
      %dma_start3A_113 = arith.constant 0 : i32
      %dma_start3A_114 = tpu.memref_slice %arg8[%dma_start3A_112, %dma_start3A_113] : memref<10240x128xf32, #tpu.memory_space<vmem_shared>> -> memref<10240x128xf32, #tpu.memory_space<vmem_shared>>
      tpu.enqueue_indirect_dma source(%dma_start3A_108 : memref<125x128xf32, #tpu.memory_space<vmem>>) target(%dma_start3A_114 : memref<10240x128xf32, #tpu.memory_space<vmem_shared>>) offsets(%dma_start3A_111 : memref<125xi32, #tpu.memory_space<vmem>>) semaphore(%arg11 : memref<!tpu.dma_semaphore, #tpu.memory_space<semaphore_mem>>) {add = true}
      %dma_wait3A_115 = arith.constant 0 : i32
      %dma_wait3A_116 = arith.constant 0 : i32
      %dma_wait3A_117 = arith.constant 0 : i32
      %dma_wait3A_118 = tpu.memref_slice %arg7[%dma_wait3A_115, %dma_wait3A_116, %dma_wait3A_117] : memref<2x125x128xf32, #tpu.memory_space<vmem>> -> memref<1x125x128xf32, #tpu.memory_space<vmem>>
      %dma_wait3A_119 = tpu.memref_squeeze %dma_wait3A_118 : memref<1x125x128xf32, #tpu.memory_space<vmem>> -> memref<125x128xf32, #tpu.memory_space<vmem>>
      %dma_wait3A_120 = arith.constant 0 : i32
      %dma_wait3A_121 = tpu.memref_slice %arg6[%mul3A_91, %dma_wait3A_120] : memref<40x125xi32, #tpu.memory_space<vmem>> -> memref<1x125xi32, #tpu.memory_space<vmem>>
      %dma_wait3A_122 = tpu.memref_squeeze %dma_wait3A_121 : memref<1x125xi32, #tpu.memory_space<vmem>> -> memref<125xi32, #tpu.memory_space<vmem>>
      %dma_wait3A_123 = arith.constant 0 : i32
      %dma_wait3A_124 = arith.constant 0 : i32
      %dma_wait3A_125 = tpu.memref_slice %arg8[%dma_wait3A_123, %dma_wait3A_124] : memref<10240x128xf32, #tpu.memory_space<vmem_shared>> -> memref<10240x128xf32, #tpu.memory_space<vmem_shared>>
      tpu.wait_indirect_dma semaphore(%arg11 : memref<!tpu.dma_semaphore, #tpu.memory_space<semaphore_mem>>) src(%dma_wait3A_119 : memref<125x128xf32, #tpu.memory_space<vmem>>) dst(%dma_wait3A_125 : memref<10240x128xf32, #tpu.memory_space<vmem_shared>>)
      %add3A_126 = arith.constant 2 : i32
      %add3A_127 = arith.addi %mul3A_91, %add3A_126 : i32
      %lt3A = arith.constant 40 : i32
      %lt3A_128 = arith.cmpi slt, %add3A_127, %lt3A : i32
      %convert_element_type3A = arith.extui %lt3A_128 : i1 to i32
      %cond3A = arith.constant 0 : i32
      %cond3A_129 = arith.cmpi ne, %convert_element_type3A, %cond3A : i32
      scf.if %cond3A_129 {
        %add3A_170 = arith.constant 2 : i32
        %add3A_171 = arith.addi %mul3A_91, %add3A_170 : i32
        %dma_start3A_172 = arith.constant 0 : i32
        %dma_start3A_173 = arith.constant 0 : i32
        %dma_start3A_174 = arith.constant 0 : i32
        %dma_start3A_175 = tpu.memref_slice %arg7[%dma_start3A_172, %dma_start3A_173, %dma_start3A_174] : memref<2x125x128xf32, #tpu.memory_space<vmem>> -> memref<1x125x128xf32, #tpu.memory_space<vmem>>
        %dma_start3A_176 = tpu.memref_squeeze %dma_start3A_175 : memref<1x125x128xf32, #tpu.memory_space<vmem>> -> memref<125x128xf32, #tpu.memory_space<vmem>>
        %dma_start3A_177 = arith.constant 0 : i32
        %dma_start3A_178 = tpu.memref_slice %arg5[%add3A_171, %dma_start3A_177] : memref<40x125xi32, #tpu.memory_space<vmem>> -> memref<1x125xi32, #tpu.memory_space<vmem>>
        %dma_start3A_179 = tpu.memref_squeeze %dma_start3A_178 : memref<1x125xi32, #tpu.memory_space<vmem>> -> memref<125xi32, #tpu.memory_space<vmem>>
        %dma_start3A_180 = arith.constant 0 : i32
        %dma_start3A_181 = arith.constant 0 : i32
        %dma_start3A_182 = tpu.memref_slice %arg2[%dma_start3A_180, %dma_start3A_181] : memref<10000x128xf32, #tpu.memory_space<hbm>> -> memref<10000x128xf32, #tpu.memory_space<hbm>>
        tpu.enqueue_indirect_dma source(%dma_start3A_182 : memref<10000x128xf32, #tpu.memory_space<hbm>>) target(%dma_start3A_176 : memref<125x128xf32, #tpu.memory_space<vmem>>) offsets(%dma_start3A_179 : memref<125xi32, #tpu.memory_space<vmem>>) semaphore(%arg9 : memref<!tpu.dma_semaphore, #tpu.memory_space<semaphore_mem>>)
      } else {
      }
      %dma_wait3A_130 = arith.constant 1 : i32
      %dma_wait3A_131 = arith.constant 0 : i32
      %dma_wait3A_132 = arith.constant 0 : i32
      %dma_wait3A_133 = tpu.memref_slice %arg7[%dma_wait3A_130, %dma_wait3A_131, %dma_wait3A_132] : memref<2x125x128xf32, #tpu.memory_space<vmem>> -> memref<1x125x128xf32, #tpu.memory_space<vmem>>
      %dma_wait3A_134 = tpu.memref_squeeze %dma_wait3A_133 : memref<1x125x128xf32, #tpu.memory_space<vmem>> -> memref<125x128xf32, #tpu.memory_space<vmem>>
      %dma_wait3A_135 = arith.constant 0 : i32
      %dma_wait3A_136 = tpu.memref_slice %arg5[%add3A_93, %dma_wait3A_135] : memref<40x125xi32, #tpu.memory_space<vmem>> -> memref<1x125xi32, #tpu.memory_space<vmem>>
      %dma_wait3A_137 = tpu.memref_squeeze %dma_wait3A_136 : memref<1x125xi32, #tpu.memory_space<vmem>> -> memref<125xi32, #tpu.memory_space<vmem>>
      %dma_wait3A_138 = arith.constant 0 : i32
      %dma_wait3A_139 = arith.constant 0 : i32
      %dma_wait3A_140 = tpu.memref_slice %arg2[%dma_wait3A_138, %dma_wait3A_139] : memref<10000x128xf32, #tpu.memory_space<hbm>> -> memref<10000x128xf32, #tpu.memory_space<hbm>>
      tpu.wait_indirect_dma semaphore(%arg10 : memref<!tpu.dma_semaphore, #tpu.memory_space<semaphore_mem>>) src(%dma_wait3A_140 : memref<10000x128xf32, #tpu.memory_space<hbm>>) dst(%dma_wait3A_134 : memref<125x128xf32, #tpu.memory_space<vmem>>)
      %dma_start3A_141 = arith.constant 1 : i32
      %dma_start3A_142 = arith.constant 0 : i32
      %dma_start3A_143 = arith.constant 0 : i32
      %dma_start3A_144 = tpu.memref_slice %arg7[%dma_start3A_141, %dma_start3A_142, %dma_start3A_143] : memref<2x125x128xf32, #tpu.memory_space<vmem>> -> memref<1x125x128xf32, #tpu.memory_space<vmem>>
      %dma_start3A_145 = tpu.memref_squeeze %dma_start3A_144 : memref<1x125x128xf32, #tpu.memory_space<vmem>> -> memref<125x128xf32, #tpu.memory_space<vmem>>
      %dma_start3A_146 = arith.constant 0 : i32
      %dma_start3A_147 = tpu.memref_slice %arg6[%add3A_93, %dma_start3A_146] : memref<40x125xi32, #tpu.memory_space<vmem>> -> memref<1x125xi32, #tpu.memory_space<vmem>>
      %dma_start3A_148 = tpu.memref_squeeze %dma_start3A_147 : memref<1x125xi32, #tpu.memory_space<vmem>> -> memref<125xi32, #tpu.memory_space<vmem>>
      %dma_start3A_149 = arith.constant 0 : i32
      %dma_start3A_150 = arith.constant 0 : i32
      %dma_start3A_151 = tpu.memref_slice %arg8[%dma_start3A_149, %dma_start3A_150] : memref<10240x128xf32, #tpu.memory_space<vmem_shared>> -> memref<10240x128xf32, #tpu.memory_space<vmem_shared>>
      tpu.enqueue_indirect_dma source(%dma_start3A_145 : memref<125x128xf32, #tpu.memory_space<vmem>>) target(%dma_start3A_151 : memref<10240x128xf32, #tpu.memory_space<vmem_shared>>) offsets(%dma_start3A_148 : memref<125xi32, #tpu.memory_space<vmem>>) semaphore(%arg12 : memref<!tpu.dma_semaphore, #tpu.memory_space<semaphore_mem>>) {add = true}
      %dma_wait3A_152 = arith.constant 1 : i32
      %dma_wait3A_153 = arith.constant 0 : i32
      %dma_wait3A_154 = arith.constant 0 : i32
      %dma_wait3A_155 = tpu.memref_slice %arg7[%dma_wait3A_152, %dma_wait3A_153, %dma_wait3A_154] : memref<2x125x128xf32, #tpu.memory_space<vmem>> -> memref<1x125x128xf32, #tpu.memory_space<vmem>>
      %dma_wait3A_156 = tpu.memref_squeeze %dma_wait3A_155 : memref<1x125x128xf32, #tpu.memory_space<vmem>> -> memref<125x128xf32, #tpu.memory_space<vmem>>
      %dma_wait3A_157 = arith.constant 0 : i32
      %dma_wait3A_158 = tpu.memref_slice %arg6[%add3A_93, %dma_wait3A_157] : memref<40x125xi32, #tpu.memory_space<vmem>> -> memref<1x125xi32, #tpu.memory_space<vmem>>
      %dma_wait3A_159 = tpu.memref_squeeze %dma_wait3A_158 : memref<1x125xi32, #tpu.memory_space<vmem>> -> memref<125xi32, #tpu.memory_space<vmem>>
      %dma_wait3A_160 = arith.constant 0 : i32
      %dma_wait3A_161 = arith.constant 0 : i32
      %dma_wait3A_162 = tpu.memref_slice %arg8[%dma_wait3A_160, %dma_wait3A_161] : memref<10240x128xf32, #tpu.memory_space<vmem_shared>> -> memref<10240x128xf32, #tpu.memory_space<vmem_shared>>
      tpu.wait_indirect_dma semaphore(%arg12 : memref<!tpu.dma_semaphore, #tpu.memory_space<semaphore_mem>>) src(%dma_wait3A_156 : memref<125x128xf32, #tpu.memory_space<vmem>>) dst(%dma_wait3A_162 : memref<10240x128xf32, #tpu.memory_space<vmem_shared>>)
      %add3A_163 = arith.constant 2 : i32
      %add3A_164 = arith.addi %add3A_93, %add3A_163 : i32
      %lt3A_165 = arith.constant 40 : i32
      %lt3A_166 = arith.cmpi slt, %add3A_164, %lt3A_165 : i32
      %convert_element_type3A_167 = arith.extui %lt3A_166 : i1 to i32
      %cond3A_168 = arith.constant 0 : i32
      %cond3A_169 = arith.cmpi ne, %convert_element_type3A_167, %cond3A_168 : i32
      scf.if %cond3A_169 {
        %add3A_170 = arith.constant 2 : i32
        %add3A_171 = arith.addi %add3A_93, %add3A_170 : i32
        %dma_start3A_172 = arith.constant 1 : i32
        %dma_start3A_173 = arith.constant 0 : i32
        %dma_start3A_174 = arith.constant 0 : i32
        %dma_start3A_175 = tpu.memref_slice %arg7[%dma_start3A_172, %dma_start3A_173, %dma_start3A_174] : memref<2x125x128xf32, #tpu.memory_space<vmem>> -> memref<1x125x128xf32, #tpu.memory_space<vmem>>
        %dma_start3A_176 = tpu.memref_squeeze %dma_start3A_175 : memref<1x125x128xf32, #tpu.memory_space<vmem>> -> memref<125x128xf32, #tpu.memory_space<vmem>>
        %dma_start3A_177 = arith.constant 0 : i32
        %dma_start3A_178 = tpu.memref_slice %arg5[%add3A_171, %dma_start3A_177] : memref<40x125xi32, #tpu.memory_space<vmem>> -> memref<1x125xi32, #tpu.memory_space<vmem>>
        %dma_start3A_179 = tpu.memref_squeeze %dma_start3A_178 : memref<1x125xi32, #tpu.memory_space<vmem>> -> memref<125xi32, #tpu.memory_space<vmem>>
        %dma_start3A_180 = arith.constant 0 : i32
        %dma_start3A_181 = arith.constant 0 : i32
        %dma_start3A_182 = tpu.memref_slice %arg2[%dma_start3A_180, %dma_start3A_181] : memref<10000x128xf32, #tpu.memory_space<hbm>> -> memref<10000x128xf32, #tpu.memory_space<hbm>>
        tpu.enqueue_indirect_dma source(%dma_start3A_182 : memref<10000x128xf32, #tpu.memory_space<hbm>>) target(%dma_start3A_176 : memref<125x128xf32, #tpu.memory_space<vmem>>) offsets(%dma_start3A_179 : memref<125xi32, #tpu.memory_space<vmem>>) semaphore(%arg10 : memref<!tpu.dma_semaphore, #tpu.memory_space<semaphore_mem>>)
      } else {
      }
    }
    %scan3A_55 = arith.constant 20 : i32
    %run_scoped3A_56 = arith.constant 0 : i32
    "tpu.region"() ({
      %run_scoped3A_89 = tpu.sem_alloc : memref<!tpu.dma_semaphore, #tpu.memory_space<semaphore_mem>>
      %dma_start3A_90 = arith.constant 40 : i32
      %dma_start3A_91 = arith.constant 0 : i32
      %dma_start3A_92 = tpu.memref_slice %arg3[%run_scoped3A_56, %add3A, %dma_start3A_90, %dma_start3A_91] : memref<2x32x80x125xi32, #tpu.memory_space<hbm>> -> memref<1x1x40x125xi32, #tpu.memory_space<hbm>>
      %dma_start3A_93 = tpu.memref_squeeze %dma_start3A_92 : memref<1x1x40x125xi32, #tpu.memory_space<hbm>> -> memref<40x125xi32, #tpu.memory_space<hbm>>
      %dma_start3A_94 = arith.constant 40 : i32
      %dma_start3A_95 = arith.constant 0 : i32
      %dma_start3A_96 = tpu.memref_slice %arg3[%run_scoped3A_56, %add3A, %dma_start3A_94, %dma_start3A_95] : memref<2x32x80x125xi32, #tpu.memory_space<hbm>> -> memref<1x1x40x125xi32, #tpu.memory_space<hbm>>
      %dma_start3A_97 = tpu.memref_squeeze %dma_start3A_96 : memref<1x1x40x125xi32, #tpu.memory_space<hbm>> -> memref<40x125xi32, #tpu.memory_space<hbm>>
      tpu.enqueue_dma source(%dma_start3A_97 : memref<40x125xi32, #tpu.memory_space<hbm>>) target(%arg5 : memref<40x125xi32, #tpu.memory_space<vmem>>) target_semaphore(%run_scoped3A_89 : memref<!tpu.dma_semaphore, #tpu.memory_space<semaphore_mem>>)
      %dma_wait3A = arith.constant 40 : i32
      %dma_wait3A_98 = arith.constant 0 : i32
      %dma_wait3A_99 = tpu.memref_slice %arg3[%run_scoped3A_56, %add3A, %dma_wait3A, %dma_wait3A_98] : memref<2x32x80x125xi32, #tpu.memory_space<hbm>> -> memref<1x1x40x125xi32, #tpu.memory_space<hbm>>
      %dma_wait3A_100 = tpu.memref_squeeze %dma_wait3A_99 : memref<1x1x40x125xi32, #tpu.memory_space<hbm>> -> memref<40x125xi32, #tpu.memory_space<hbm>>
      %dma_wait3A_101 = arith.constant 40 : i32
      %dma_wait3A_102 = arith.constant 0 : i32
      %dma_wait3A_103 = tpu.memref_slice %arg3[%run_scoped3A_56, %add3A, %dma_wait3A_101, %dma_wait3A_102] : memref<2x32x80x125xi32, #tpu.memory_space<hbm>> -> memref<1x1x40x125xi32, #tpu.memory_space<hbm>>
      %dma_wait3A_104 = tpu.memref_squeeze %dma_wait3A_103 : memref<1x1x40x125xi32, #tpu.memory_space<hbm>> -> memref<40x125xi32, #tpu.memory_space<hbm>>
      tpu.wait_dma2 semaphore(%run_scoped3A_89 : memref<!tpu.dma_semaphore, #tpu.memory_space<semaphore_mem>>) src(%dma_wait3A_104 : memref<40x125xi32, #tpu.memory_space<hbm>>) dst(%arg5 : memref<40x125xi32, #tpu.memory_space<vmem>>)
      tpu.yield
    }) : () -> ()
    %run_scoped3A_57 = arith.constant 1 : i32
    "tpu.region"() ({
      %run_scoped3A_89 = tpu.sem_alloc : memref<!tpu.dma_semaphore, #tpu.memory_space<semaphore_mem>>
      %dma_start3A_90 = arith.constant 40 : i32
      %dma_start3A_91 = arith.constant 0 : i32
      %dma_start3A_92 = tpu.memref_slice %arg3[%run_scoped3A_57, %add3A, %dma_start3A_90, %dma_start3A_91] : memref<2x32x80x125xi32, #tpu.memory_space<hbm>> -> memref<1x1x40x125xi32, #tpu.memory_space<hbm>>
      %dma_start3A_93 = tpu.memref_squeeze %dma_start3A_92 : memref<1x1x40x125xi32, #tpu.memory_space<hbm>> -> memref<40x125xi32, #tpu.memory_space<hbm>>
      %dma_start3A_94 = arith.constant 40 : i32
      %dma_start3A_95 = arith.constant 0 : i32
      %dma_start3A_96 = tpu.memref_slice %arg3[%run_scoped3A_57, %add3A, %dma_start3A_94, %dma_start3A_95] : memref<2x32x80x125xi32, #tpu.memory_space<hbm>> -> memref<1x1x40x125xi32, #tpu.memory_space<hbm>>
      %dma_start3A_97 = tpu.memref_squeeze %dma_start3A_96 : memref<1x1x40x125xi32, #tpu.memory_space<hbm>> -> memref<40x125xi32, #tpu.memory_space<hbm>>
      tpu.enqueue_dma source(%dma_start3A_97 : memref<40x125xi32, #tpu.memory_space<hbm>>) target(%arg6 : memref<40x125xi32, #tpu.memory_space<vmem>>) target_semaphore(%run_scoped3A_89 : memref<!tpu.dma_semaphore, #tpu.memory_space<semaphore_mem>>)
      %dma_wait3A = arith.constant 40 : i32
      %dma_wait3A_98 = arith.constant 0 : i32
      %dma_wait3A_99 = tpu.memref_slice %arg3[%run_scoped3A_57, %add3A, %dma_wait3A, %dma_wait3A_98] : memref<2x32x80x125xi32, #tpu.memory_space<hbm>> -> memref<1x1x40x125xi32, #tpu.memory_space<hbm>>
      %dma_wait3A_100 = tpu.memref_squeeze %dma_wait3A_99 : memref<1x1x40x125xi32, #tpu.memory_space<hbm>> -> memref<40x125xi32, #tpu.memory_space<hbm>>
      %dma_wait3A_101 = arith.constant 40 : i32
      %dma_wait3A_102 = arith.constant 0 : i32
      %dma_wait3A_103 = tpu.memref_slice %arg3[%run_scoped3A_57, %add3A, %dma_wait3A_101, %dma_wait3A_102] : memref<2x32x80x125xi32, #tpu.memory_space<hbm>> -> memref<1x1x40x125xi32, #tpu.memory_space<hbm>>
      %dma_wait3A_104 = tpu.memref_squeeze %dma_wait3A_103 : memref<1x1x40x125xi32, #tpu.memory_space<hbm>> -> memref<40x125xi32, #tpu.memory_space<hbm>>
      tpu.wait_dma2 semaphore(%run_scoped3A_89 : memref<!tpu.dma_semaphore, #tpu.memory_space<semaphore_mem>>) src(%dma_wait3A_104 : memref<40x125xi32, #tpu.memory_space<hbm>>) dst(%arg6 : memref<40x125xi32, #tpu.memory_space<vmem>>)
      tpu.yield
    }) : () -> ()
    %dma_start3A_58 = arith.constant 0 : i32
    %dma_start3A_59 = arith.constant 0 : i32
    %dma_start3A_60 = arith.constant 0 : i32
    %dma_start3A_61 = arith.constant 0 : i32
    %dma_start3A_62 = tpu.memref_slice %arg7[%dma_start3A_59, %dma_start3A_60, %dma_start3A_61] : memref<2x125x128xf32, #tpu.memory_space<vmem>> -> memref<1x125x128xf32, #tpu.memory_space<vmem>>
    %dma_start3A_63 = tpu.memref_squeeze %dma_start3A_62 : memref<1x125x128xf32, #tpu.memory_space<vmem>> -> memref<125x128xf32, #tpu.memory_space<vmem>>
    %dma_start3A_64 = arith.constant 0 : i32
    %dma_start3A_65 = tpu.memref_slice %arg5[%dma_start3A_58, %dma_start3A_64] : memref<40x125xi32, #tpu.memory_space<vmem>> -> memref<1x125xi32, #tpu.memory_space<vmem>>
    %dma_start3A_66 = tpu.memref_squeeze %dma_start3A_65 : memref<1x125xi32, #tpu.memory_space<vmem>> -> memref<125xi32, #tpu.memory_space<vmem>>
    %dma_start3A_67 = arith.constant 0 : i32
    %dma_start3A_68 = arith.constant 0 : i32
    %dma_start3A_69 = tpu.memref_slice %arg2[%dma_start3A_67, %dma_start3A_68] : memref<10000x128xf32, #tpu.memory_space<hbm>> -> memref<10000x128xf32, #tpu.memory_space<hbm>>
    tpu.enqueue_indirect_dma source(%dma_start3A_69 : memref<10000x128xf32, #tpu.memory_space<hbm>>) target(%dma_start3A_63 : memref<125x128xf32, #tpu.memory_space<vmem>>) offsets(%dma_start3A_66 : memref<125xi32, #tpu.memory_space<vmem>>) semaphore(%arg9 : memref<!tpu.dma_semaphore, #tpu.memory_space<semaphore_mem>>)
    %dma_start3A_70 = arith.constant 1 : i32
    %dma_start3A_71 = arith.constant 1 : i32
    %dma_start3A_72 = arith.constant 0 : i32
    %dma_start3A_73 = arith.constant 0 : i32
    %dma_start3A_74 = tpu.memref_slice %arg7[%dma_start3A_71, %dma_start3A_72, %dma_start3A_73] : memref<2x125x128xf32, #tpu.memory_space<vmem>> -> memref<1x125x128xf32, #tpu.memory_space<vmem>>
    %dma_start3A_75 = tpu.memref_squeeze %dma_start3A_74 : memref<1x125x128xf32, #tpu.memory_space<vmem>> -> memref<125x128xf32, #tpu.memory_space<vmem>>
    %dma_start3A_76 = arith.constant 0 : i32
    %dma_start3A_77 = tpu.memref_slice %arg5[%dma_start3A_70, %dma_start3A_76] : memref<40x125xi32, #tpu.memory_space<vmem>> -> memref<1x125xi32, #tpu.memory_space<vmem>>
    %dma_start3A_78 = tpu.memref_squeeze %dma_start3A_77 : memref<1x125xi32, #tpu.memory_space<vmem>> -> memref<125xi32, #tpu.memory_space<vmem>>
    %dma_start3A_79 = arith.constant 0 : i32
    %dma_start3A_80 = arith.constant 0 : i32
    %dma_start3A_81 = tpu.memref_slice %arg2[%dma_start3A_79, %dma_start3A_80] : memref<10000x128xf32, #tpu.memory_space<hbm>> -> memref<10000x128xf32, #tpu.memory_space<hbm>>
    tpu.enqueue_indirect_dma source(%dma_start3A_81 : memref<10000x128xf32, #tpu.memory_space<hbm>>) target(%dma_start3A_75 : memref<125x128xf32, #tpu.memory_space<vmem>>) offsets(%dma_start3A_78 : memref<125xi32, #tpu.memory_space<vmem>>) semaphore(%arg10 : memref<!tpu.dma_semaphore, #tpu.memory_space<semaphore_mem>>)
    %scan3A_82 = arith.constant 0 : i32
    %scan3A_83 = arith.constant 0 : i32
    %scan3A_84 = arith.constant 20 : i32
    %scan3A_85 = arith.addi %scan3A_83, %scan3A_84 : i32
    %scan3A_86 = arith.constant 1 : i32
    scf.for %scan3A_89 = %scan3A_83 to %scan3A_85 step %scan3A_86  : i32 {
      %mul3A_90 = arith.constant 2 : i32
      %mul3A_91 = arith.muli %mul3A_90, %scan3A_89 : i32
      %add3A_92 = arith.constant 1 : i32
      %add3A_93 = arith.addi %mul3A_91, %add3A_92 : i32
      %dma_wait3A = arith.constant 0 : i32
      %dma_wait3A_94 = arith.constant 0 : i32
      %dma_wait3A_95 = arith.constant 0 : i32
      %dma_wait3A_96 = tpu.memref_slice %arg7[%dma_wait3A, %dma_wait3A_94, %dma_wait3A_95] : memref<2x125x128xf32, #tpu.memory_space<vmem>> -> memref<1x125x128xf32, #tpu.memory_space<vmem>>
      %dma_wait3A_97 = tpu.memref_squeeze %dma_wait3A_96 : memref<1x125x128xf32, #tpu.memory_space<vmem>> -> memref<125x128xf32, #tpu.memory_space<vmem>>
      %dma_wait3A_98 = arith.constant 0 : i32
      %dma_wait3A_99 = tpu.memref_slice %arg5[%mul3A_91, %dma_wait3A_98] : memref<40x125xi32, #tpu.memory_space<vmem>> -> memref<1x125xi32, #tpu.memory_space<vmem>>
      %dma_wait3A_100 = tpu.memref_squeeze %dma_wait3A_99 : memref<1x125xi32, #tpu.memory_space<vmem>> -> memref<125xi32, #tpu.memory_space<vmem>>
      %dma_wait3A_101 = arith.constant 0 : i32
      %dma_wait3A_102 = arith.constant 0 : i32
      %dma_wait3A_103 = tpu.memref_slice %arg2[%dma_wait3A_101, %dma_wait3A_102] : memref<10000x128xf32, #tpu.memory_space<hbm>> -> memref<10000x128xf32, #tpu.memory_space<hbm>>
      tpu.wait_indirect_dma semaphore(%arg9 : memref<!tpu.dma_semaphore, #tpu.memory_space<semaphore_mem>>) src(%dma_wait3A_103 : memref<10000x128xf32, #tpu.memory_space<hbm>>) dst(%dma_wait3A_97 : memref<125x128xf32, #tpu.memory_space<vmem>>)
      %dma_start3A_104 = arith.constant 0 : i32
      %dma_start3A_105 = arith.constant 0 : i32
      %dma_start3A_106 = arith.constant 0 : i32
      %dma_start3A_107 = tpu.memref_slice %arg7[%dma_start3A_104, %dma_start3A_105, %dma_start3A_106] : memref<2x125x128xf32, #tpu.memory_space<vmem>> -> memref<1x125x128xf32, #tpu.memory_space<vmem>>
      %dma_start3A_108 = tpu.memref_squeeze %dma_start3A_107 : memref<1x125x128xf32, #tpu.memory_space<vmem>> -> memref<125x128xf32, #tpu.memory_space<vmem>>
      %dma_start3A_109 = arith.constant 0 : i32
      %dma_start3A_110 = tpu.memref_slice %arg6[%mul3A_91, %dma_start3A_109] : memref<40x125xi32, #tpu.memory_space<vmem>> -> memref<1x125xi32, #tpu.memory_space<vmem>>
      %dma_start3A_111 = tpu.memref_squeeze %dma_start3A_110 : memref<1x125xi32, #tpu.memory_space<vmem>> -> memref<125xi32, #tpu.memory_space<vmem>>
      %dma_start3A_112 = arith.constant 0 : i32
      %dma_start3A_113 = arith.constant 0 : i32
      %dma_start3A_114 = tpu.memref_slice %arg8[%dma_start3A_112, %dma_start3A_113] : memref<10240x128xf32, #tpu.memory_space<vmem_shared>> -> memref<10240x128xf32, #tpu.memory_space<vmem_shared>>
      tpu.enqueue_indirect_dma source(%dma_start3A_108 : memref<125x128xf32, #tpu.memory_space<vmem>>) target(%dma_start3A_114 : memref<10240x128xf32, #tpu.memory_space<vmem_shared>>) offsets(%dma_start3A_111 : memref<125xi32, #tpu.memory_space<vmem>>) semaphore(%arg11 : memref<!tpu.dma_semaphore, #tpu.memory_space<semaphore_mem>>) {add = true}
      %dma_wait3A_115 = arith.constant 0 : i32
      %dma_wait3A_116 = arith.constant 0 : i32
      %dma_wait3A_117 = arith.constant 0 : i32
      %dma_wait3A_118 = tpu.memref_slice %arg7[%dma_wait3A_115, %dma_wait3A_116, %dma_wait3A_117] : memref<2x125x128xf32, #tpu.memory_space<vmem>> -> memref<1x125x128xf32, #tpu.memory_space<vmem>>
      %dma_wait3A_119 = tpu.memref_squeeze %dma_wait3A_118 : memref<1x125x128xf32, #tpu.memory_space<vmem>> -> memref<125x128xf32, #tpu.memory_space<vmem>>
      %dma_wait3A_120 = arith.constant 0 : i32
      %dma_wait3A_121 = tpu.memref_slice %arg6[%mul3A_91, %dma_wait3A_120] : memref<40x125xi32, #tpu.memory_space<vmem>> -> memref<1x125xi32, #tpu.memory_space<vmem>>
      %dma_wait3A_122 = tpu.memref_squeeze %dma_wait3A_121 : memref<1x125xi32, #tpu.memory_space<vmem>> -> memref<125xi32, #tpu.memory_space<vmem>>
      %dma_wait3A_123 = arith.constant 0 : i32
      %dma_wait3A_124 = arith.constant 0 : i32
      %dma_wait3A_125 = tpu.memref_slice %arg8[%dma_wait3A_123, %dma_wait3A_124] : memref<10240x128xf32, #tpu.memory_space<vmem_shared>> -> memref<10240x128xf32, #tpu.memory_space<vmem_shared>>
      tpu.wait_indirect_dma semaphore(%arg11 : memref<!tpu.dma_semaphore, #tpu.memory_space<semaphore_mem>>) src(%dma_wait3A_119 : memref<125x128xf32, #tpu.memory_space<vmem>>) dst(%dma_wait3A_125 : memref<10240x128xf32, #tpu.memory_space<vmem_shared>>)
      %add3A_126 = arith.constant 2 : i32
      %add3A_127 = arith.addi %mul3A_91, %add3A_126 : i32
      %lt3A = arith.constant 40 : i32
      %lt3A_128 = arith.cmpi slt, %add3A_127, %lt3A : i32
      %convert_element_type3A = arith.extui %lt3A_128 : i1 to i32
      %cond3A = arith.constant 0 : i32
      %cond3A_129 = arith.cmpi ne, %convert_element_type3A, %cond3A : i32
      scf.if %cond3A_129 {
        %add3A_170 = arith.constant 2 : i32
        %add3A_171 = arith.addi %mul3A_91, %add3A_170 : i32
        %dma_start3A_172 = arith.constant 0 : i32
        %dma_start3A_173 = arith.constant 0 : i32
        %dma_start3A_174 = arith.constant 0 : i32
        %dma_start3A_175 = tpu.memref_slice %arg7[%dma_start3A_172, %dma_start3A_173, %dma_start3A_174] : memref<2x125x128xf32, #tpu.memory_space<vmem>> -> memref<1x125x128xf32, #tpu.memory_space<vmem>>
        %dma_start3A_176 = tpu.memref_squeeze %dma_start3A_175 : memref<1x125x128xf32, #tpu.memory_space<vmem>> -> memref<125x128xf32, #tpu.memory_space<vmem>>
        %dma_start3A_177 = arith.constant 0 : i32
        %dma_start3A_178 = tpu.memref_slice %arg5[%add3A_171, %dma_start3A_177] : memref<40x125xi32, #tpu.memory_space<vmem>> -> memref<1x125xi32, #tpu.memory_space<vmem>>
        %dma_start3A_179 = tpu.memref_squeeze %dma_start3A_178 : memref<1x125xi32, #tpu.memory_space<vmem>> -> memref<125xi32, #tpu.memory_space<vmem>>
        %dma_start3A_180 = arith.constant 0 : i32
        %dma_start3A_181 = arith.constant 0 : i32
        %dma_start3A_182 = tpu.memref_slice %arg2[%dma_start3A_180, %dma_start3A_181] : memref<10000x128xf32, #tpu.memory_space<hbm>> -> memref<10000x128xf32, #tpu.memory_space<hbm>>
        tpu.enqueue_indirect_dma source(%dma_start3A_182 : memref<10000x128xf32, #tpu.memory_space<hbm>>) target(%dma_start3A_176 : memref<125x128xf32, #tpu.memory_space<vmem>>) offsets(%dma_start3A_179 : memref<125xi32, #tpu.memory_space<vmem>>) semaphore(%arg9 : memref<!tpu.dma_semaphore, #tpu.memory_space<semaphore_mem>>)
      } else {
      }
      %dma_wait3A_130 = arith.constant 1 : i32
      %dma_wait3A_131 = arith.constant 0 : i32
      %dma_wait3A_132 = arith.constant 0 : i32
      %dma_wait3A_133 = tpu.memref_slice %arg7[%dma_wait3A_130, %dma_wait3A_131, %dma_wait3A_132] : memref<2x125x128xf32, #tpu.memory_space<vmem>> -> memref<1x125x128xf32, #tpu.memory_space<vmem>>
      %dma_wait3A_134 = tpu.memref_squeeze %dma_wait3A_133 : memref<1x125x128xf32, #tpu.memory_space<vmem>> -> memref<125x128xf32, #tpu.memory_space<vmem>>
      %dma_wait3A_135 = arith.constant 0 : i32
      %dma_wait3A_136 = tpu.memref_slice %arg5[%add3A_93, %dma_wait3A_135] : memref<40x125xi32, #tpu.memory_space<vmem>> -> memref<1x125xi32, #tpu.memory_space<vmem>>
      %dma_wait3A_137 = tpu.memref_squeeze %dma_wait3A_136 : memref<1x125xi32, #tpu.memory_space<vmem>> -> memref<125xi32, #tpu.memory_space<vmem>>
      %dma_wait3A_138 = arith.constant 0 : i32
      %dma_wait3A_139 = arith.constant 0 : i32
      %dma_wait3A_140 = tpu.memref_slice %arg2[%dma_wait3A_138, %dma_wait3A_139] : memref<10000x128xf32, #tpu.memory_space<hbm>> -> memref<10000x128xf32, #tpu.memory_space<hbm>>
      tpu.wait_indirect_dma semaphore(%arg10 : memref<!tpu.dma_semaphore, #tpu.memory_space<semaphore_mem>>) src(%dma_wait3A_140 : memref<10000x128xf32, #tpu.memory_space<hbm>>) dst(%dma_wait3A_134 : memref<125x128xf32, #tpu.memory_space<vmem>>)
      %dma_start3A_141 = arith.constant 1 : i32
      %dma_start3A_142 = arith.constant 0 : i32
      %dma_start3A_143 = arith.constant 0 : i32
      %dma_start3A_144 = tpu.memref_slice %arg7[%dma_start3A_141, %dma_start3A_142, %dma_start3A_143] : memref<2x125x128xf32, #tpu.memory_space<vmem>> -> memref<1x125x128xf32, #tpu.memory_space<vmem>>
      %dma_start3A_145 = tpu.memref_squeeze %dma_start3A_144 : memref<1x125x128xf32, #tpu.memory_space<vmem>> -> memref<125x128xf32, #tpu.memory_space<vmem>>
      %dma_start3A_146 = arith.constant 0 : i32
      %dma_start3A_147 = tpu.memref_slice %arg6[%add3A_93, %dma_start3A_146] : memref<40x125xi32, #tpu.memory_space<vmem>> -> memref<1x125xi32, #tpu.memory_space<vmem>>
      %dma_start3A_148 = tpu.memref_squeeze %dma_start3A_147 : memref<1x125xi32, #tpu.memory_space<vmem>> -> memref<125xi32, #tpu.memory_space<vmem>>
      %dma_start3A_149 = arith.constant 0 : i32
      %dma_start3A_150 = arith.constant 0 : i32
      %dma_start3A_151 = tpu.memref_slice %arg8[%dma_start3A_149, %dma_start3A_150] : memref<10240x128xf32, #tpu.memory_space<vmem_shared>> -> memref<10240x128xf32, #tpu.memory_space<vmem_shared>>
      tpu.enqueue_indirect_dma source(%dma_start3A_145 : memref<125x128xf32, #tpu.memory_space<vmem>>) target(%dma_start3A_151 : memref<10240x128xf32, #tpu.memory_space<vmem_shared>>) offsets(%dma_start3A_148 : memref<125xi32, #tpu.memory_space<vmem>>) semaphore(%arg12 : memref<!tpu.dma_semaphore, #tpu.memory_space<semaphore_mem>>) {add = true}
      %dma_wait3A_152 = arith.constant 1 : i32
      %dma_wait3A_153 = arith.constant 0 : i32
      %dma_wait3A_154 = arith.constant 0 : i32
      %dma_wait3A_155 = tpu.memref_slice %arg7[%dma_wait3A_152, %dma_wait3A_153, %dma_wait3A_154] : memref<2x125x128xf32, #tpu.memory_space<vmem>> -> memref<1x125x128xf32, #tpu.memory_space<vmem>>
      %dma_wait3A_156 = tpu.memref_squeeze %dma_wait3A_155 : memref<1x125x128xf32, #tpu.memory_space<vmem>> -> memref<125x128xf32, #tpu.memory_space<vmem>>
      %dma_wait3A_157 = arith.constant 0 : i32
      %dma_wait3A_158 = tpu.memref_slice %arg6[%add3A_93, %dma_wait3A_157] : memref<40x125xi32, #tpu.memory_space<vmem>> -> memref<1x125xi32, #tpu.memory_space<vmem>>
      %dma_wait3A_159 = tpu.memref_squeeze %dma_wait3A_158 : memref<1x125xi32, #tpu.memory_space<vmem>> -> memref<125xi32, #tpu.memory_space<vmem>>
      %dma_wait3A_160 = arith.constant 0 : i32
      %dma_wait3A_161 = arith.constant 0 : i32
      %dma_wait3A_162 = tpu.memref_slice %arg8[%dma_wait3A_160, %dma_wait3A_161] : memref<10240x128xf32, #tpu.memory_space<vmem_shared>> -> memref<10240x128xf32, #tpu.memory_space<vmem_shared>>
      tpu.wait_indirect_dma semaphore(%arg12 : memref<!tpu.dma_semaphore, #tpu.memory_space<semaphore_mem>>) src(%dma_wait3A_156 : memref<125x128xf32, #tpu.memory_space<vmem>>) dst(%dma_wait3A_162 : memref<10240x128xf32, #tpu.memory_space<vmem_shared>>)
      %add3A_163 = arith.constant 2 : i32
      %add3A_164 = arith.addi %add3A_93, %add3A_163 : i32
      %lt3A_165 = arith.constant 40 : i32
      %lt3A_166 = arith.cmpi slt, %add3A_164, %lt3A_165 : i32
      %convert_element_type3A_167 = arith.extui %lt3A_166 : i1 to i32
      %cond3A_168 = arith.constant 0 : i32
      %cond3A_169 = arith.cmpi ne, %convert_element_type3A_167, %cond3A_168 : i32
      scf.if %cond3A_169 {
        %add3A_170 = arith.constant 2 : i32
        %add3A_171 = arith.addi %add3A_93, %add3A_170 : i32
        %dma_start3A_172 = arith.constant 1 : i32
        %dma_start3A_173 = arith.constant 0 : i32
        %dma_start3A_174 = arith.constant 0 : i32
        %dma_start3A_175 = tpu.memref_slice %arg7[%dma_start3A_172, %dma_start3A_173, %dma_start3A_174] : memref<2x125x128xf32, #tpu.memory_space<vmem>> -> memref<1x125x128xf32, #tpu.memory_space<vmem>>
        %dma_start3A_176 = tpu.memref_squeeze %dma_start3A_175 : memref<1x125x128xf32, #tpu.memory_space<vmem>> -> memref<125x128xf32, #tpu.memory_space<vmem>>
        %dma_start3A_177 = arith.constant 0 : i32
        %dma_start3A_178 = tpu.memref_slice %arg5[%add3A_171, %dma_start3A_177] : memref<40x125xi32, #tpu.memory_space<vmem>> -> memref<1x125xi32, #tpu.memory_space<vmem>>
        %dma_start3A_179 = tpu.memref_squeeze %dma_start3A_178 : memref<1x125xi32, #tpu.memory_space<vmem>> -> memref<125xi32, #tpu.memory_space<vmem>>
        %dma_start3A_180 = arith.constant 0 : i32
        %dma_start3A_181 = arith.constant 0 : i32
        %dma_start3A_182 = tpu.memref_slice %arg2[%dma_start3A_180, %dma_start3A_181] : memref<10000x128xf32, #tpu.memory_space<hbm>> -> memref<10000x128xf32, #tpu.memory_space<hbm>>
        tpu.enqueue_indirect_dma source(%dma_start3A_182 : memref<10000x128xf32, #tpu.memory_space<hbm>>) target(%dma_start3A_176 : memref<125x128xf32, #tpu.memory_space<vmem>>) offsets(%dma_start3A_179 : memref<125xi32, #tpu.memory_space<vmem>>) semaphore(%arg10 : memref<!tpu.dma_semaphore, #tpu.memory_space<semaphore_mem>>)
      } else {
      }
    }
    %scan3A_87 = arith.constant 20 : i32
    %barrier3A_88 = arith.constant 0 : index
    tpu.barrier barrier_id(%barrier3A_88)
    "tpu.region"() ({
      %run_scoped3A_89 = tpu.sem_alloc : memref<!tpu.dma_semaphore, #tpu.memory_space<semaphore_mem>>
      %dma_start3A_90 = arith.constant 0 : i32
      %dma_start3A_91 = tpu.memref_slice %arg4[%arg0, %mul3A_2, %dma_start3A_90] : memref<2x10240x128xf32, #tpu.memory_space<hbm>> -> memref<1x640x128xf32, #tpu.memory_space<hbm>>
      %dma_start3A_92 = tpu.memref_squeeze %dma_start3A_91 : memref<1x640x128xf32, #tpu.memory_space<hbm>> -> memref<640x128xf32, #tpu.memory_space<hbm>>
      %dma_start3A_93 = arith.constant 0 : i32
      %dma_start3A_94 = tpu.memref_slice %arg8[%mul3A_2, %dma_start3A_93] : memref<10240x128xf32, #tpu.memory_space<vmem_shared>> -> memref<640x128xf32, #tpu.memory_space<vmem_shared>>
      tpu.enqueue_dma source(%dma_start3A_94 : memref<640x128xf32, #tpu.memory_space<vmem_shared>>) target(%dma_start3A_92 : memref<640x128xf32, #tpu.memory_space<hbm>>) target_semaphore(%run_scoped3A_89 : memref<!tpu.dma_semaphore, #tpu.memory_space<semaphore_mem>>)
      %dma_wait3A = arith.constant 0 : i32
      %dma_wait3A_95 = tpu.memref_slice %arg4[%arg0, %mul3A_2, %dma_wait3A] : memref<2x10240x128xf32, #tpu.memory_space<hbm>> -> memref<1x640x128xf32, #tpu.memory_space<hbm>>
      %dma_wait3A_96 = tpu.memref_squeeze %dma_wait3A_95 : memref<1x640x128xf32, #tpu.memory_space<hbm>> -> memref<640x128xf32, #tpu.memory_space<hbm>>
      %dma_wait3A_97 = arith.constant 0 : i32
      %dma_wait3A_98 = tpu.memref_slice %arg8[%mul3A_2, %dma_wait3A_97] : memref<10240x128xf32, #tpu.memory_space<vmem_shared>> -> memref<640x128xf32, #tpu.memory_space<vmem_shared>>
      tpu.wait_dma2 semaphore(%run_scoped3A_89 : memref<!tpu.dma_semaphore, #tpu.memory_space<semaphore_mem>>) src(%dma_wait3A_98 : memref<640x128xf32, #tpu.memory_space<vmem_shared>>) dst(%dma_wait3A_96 : memref<640x128xf32, #tpu.memory_space<hbm>>)
      tpu.yield
    }) : () -> ()
    return
  }
}

module attributes {stable_mosaic.version = 14 : i64} {
  func.func @_tc_out_body(%arg0: i32, %arg1: memref<5120x128xf32, #tpu.memory_space<vmem>>, %arg2: memref<2x5120x128xf32, #tpu.memory_space<vmem>>, %arg3: memref<2x5120xf32, #tpu.memory_space<vmem>>, %arg4: memref<128x128xf32, #tpu.memory_space<vmem>>, %arg5: memref<1x128xf32, #tpu.memory_space<vmem>>, %arg6: memref<5120x128xf32, #tpu.memory_space<vmem>>) attributes {dimension_semantics = [#tpu.dimension_semantics<arbitrary>], iteration_bounds = array<i64: 2>, scalar_prefetch = 0 : i64, scratch_operands = 0 : i64, tpu.core_type = #tpu.core_type<tc>, window_params = [{transform_indices = @transform_0, window_bounds = array<i64: 5120, 128>}, {transform_indices = @transform_1, window_bounds = array<i64: 2, 5120, 128>}, {transform_indices = @transform_2, window_bounds = array<i64: 2, 5120>}, {pipeline_mode = #tpu.pipeline_mode<synchronous>, transform_indices = @transform_3, window_bounds = array<i64: 128, 128>}, {pipeline_mode = #tpu.pipeline_mode<synchronous>, transform_indices = @transform_4, window_bounds = array<i64: 1, 128>}, {transform_indices = @transform_5, window_bounds = array<i64: 5120, 128>}]} {
    %get3A = arith.constant 0 : index
    %get3A_0 = arith.constant 0 : index
    %get3A_1 = arith.constant 0 : index
    %get3A_2 = vector.load %arg2[%get3A, %get3A_0, %get3A_1] : memref<2x5120x128xf32, #tpu.memory_space<vmem>>, vector<1x5120x128xf32>
    %get3A_3 = vector.shape_cast %get3A_2 : vector<1x5120x128xf32> to vector<5120x128xf32>
    %get3A_4 = arith.constant 1 : index
    %get3A_5 = arith.constant 0 : index
    %get3A_6 = arith.constant 0 : index
    %get3A_7 = vector.load %arg2[%get3A_4, %get3A_5, %get3A_6] : memref<2x5120x128xf32, #tpu.memory_space<vmem>>, vector<1x5120x128xf32>
    %get3A_8 = vector.shape_cast %get3A_7 : vector<1x5120x128xf32> to vector<5120x128xf32>
    %add3A = arith.addf %get3A_3, %get3A_8 : vector<5120x128xf32>
    %get3A_9 = arith.constant 0 : index
    %get3A_10 = arith.constant 0 : index
    %get3A_11 = vector.load %arg3[%get3A_9, %get3A_10] : memref<2x5120xf32, #tpu.memory_space<vmem>>, vector<1x5120xf32>
    %get3A_12 = vector.shape_cast %get3A_11 : vector<1x5120xf32> to vector<5120xf32>
    %get3A_13 = arith.constant 1 : index
    %get3A_14 = arith.constant 0 : index
    %get3A_15 = vector.load %arg3[%get3A_13, %get3A_14] : memref<2x5120xf32, #tpu.memory_space<vmem>>, vector<1x5120xf32>
    %get3A_16 = vector.shape_cast %get3A_15 : vector<1x5120xf32> to vector<5120xf32>
    %add3A_17 = arith.addf %get3A_12, %get3A_16 : vector<5120xf32>
    %add3A_18 = arith.constant 1.000000e+00 : f32
    %add3A_19 = vector.broadcast %add3A_18 : f32 to vector<5120xf32>
    %add3A_20 = arith.addf %add3A_17, %add3A_19 : vector<5120xf32>
    %rsqrt3A = math.rsqrt %add3A_20 : vector<5120xf32>
    %get3A_21 = arith.constant 0 : index
    %get3A_22 = arith.constant 0 : index
    %get3A_23 = vector.load %arg1[%get3A_21, %get3A_22] : memref<5120x128xf32, #tpu.memory_space<vmem>>, vector<5120x128xf32>
    %sqrt3A = math.sqrt %add3A_20 : vector<5120xf32>
    %broadcast_in_dim3A = vector.shape_cast %sqrt3A : vector<5120xf32> to vector<5120x1xf32>
    %mul3A = vector.broadcast %broadcast_in_dim3A : vector<5120x1xf32> to vector<5120x128xf32>
    %mul3A_24 = arith.mulf %get3A_23, %mul3A : vector<5120x128xf32>
    %broadcast_in_dim3A_25 = vector.shape_cast %rsqrt3A : vector<5120xf32> to vector<5120x1xf32>
    %mul3A_26 = vector.broadcast %broadcast_in_dim3A_25 : vector<5120x1xf32> to vector<5120x128xf32>
    %mul3A_27 = arith.mulf %mul3A_26, %add3A : vector<5120x128xf32>
    %mul3A_28 = arith.mulf %rsqrt3A, %rsqrt3A : vector<5120xf32>
    %mul3A_29 = arith.constant 1.000000e+00 : f32
    %mul3A_30 = vector.broadcast %mul3A_29 : f32 to vector<5120xf32>
    %mul3A_31 = arith.mulf %mul3A_30, %mul3A_28 : vector<5120xf32>
    %broadcast_in_dim3A_32 = vector.shape_cast %mul3A_31 : vector<5120xf32> to vector<5120x1xf32>
    %mul3A_33 = vector.broadcast %broadcast_in_dim3A_32 : vector<5120x1xf32> to vector<5120x128xf32>
    %mul3A_34 = arith.mulf %mul3A_33, %mul3A_24 : vector<5120x128xf32>
    %add3A_35 = arith.addf %mul3A_27, %mul3A_34 : vector<5120x128xf32>
    %mul3A_36 = arith.constant 5.000000e-01 : f32
    %mul3A_37 = vector.broadcast %mul3A_36 : f32 to vector<5120x128xf32>
    %mul3A_38 = arith.mulf %mul3A_37, %mul3A_24 : vector<5120x128xf32>
    %mul3A_39 = arith.constant 5.000000e-01 : f32
    %mul3A_40 = vector.broadcast %mul3A_39 : f32 to vector<5120x128xf32>
    %mul3A_41 = arith.mulf %mul3A_40, %add3A_35 : vector<5120x128xf32>
    %add3A_42 = arith.addf %mul3A_38, %mul3A_41 : vector<5120x128xf32>
    %mul3A_43 = arith.mulf %add3A_42, %add3A_42 : vector<5120x128xf32>
    %reduce_sum3A = arith.constant dense<0.000000e+00> : vector<5120xf32>
    %reduce_sum3A_44 = vector.multi_reduction <add>, %mul3A_43, %reduce_sum3A [1] : vector<5120x128xf32> to vector<5120xf32>
    %broadcast_in_dim3A_45 = vector.shape_cast %reduce_sum3A_44 : vector<5120xf32> to vector<5120x1xf32>
    %sqrt3A_46 = math.sqrt %broadcast_in_dim3A_45 : vector<5120x1xf32>
    %max3A = arith.constant 9.99999996E-13 : f32
    %max3A_47 = vector.broadcast %max3A : f32 to vector<5120x1xf32>
    %max3A_48 = arith.maximumf %sqrt3A_46, %max3A_47 : vector<5120x1xf32>
    %div3A = vector.broadcast %max3A_48 : vector<5120x1xf32> to vector<5120x128xf32>
    %div3A_49 = arith.divf %add3A_42, %div3A : vector<5120x128xf32>
    %max3A_50 = arith.constant 0.000000e+00 : f32
    %max3A_51 = vector.broadcast %max3A_50 : f32 to vector<5120x128xf32>
    %max3A_52 = arith.maximumf %div3A_49, %max3A_51 : vector<5120x128xf32>
    %get3A_53 = arith.constant 0 : index
    %get3A_54 = arith.constant 0 : index
    %get3A_55 = vector.load %arg4[%get3A_53, %get3A_54] : memref<128x128xf32, #tpu.memory_space<vmem>>, vector<128x128xf32>
    %dot_general3A = arith.constant dense<0.000000e+00> : vector<5120x128xf32>
    %dot_general3A_56 = tpu.matmul %max3A_52, %get3A_55, %dot_general3A {dimension_numbers = #tpu.dot_dimension_numbers<[1], [0], [0], [1], [0, 0, 1, 1], [], []>, transpose_lhs_hint = false} : vector<5120x128xf32>, vector<128x128xf32>, vector<5120x128xf32> -> vector<5120x128xf32>
    %get3A_57 = arith.constant 0 : index
    %get3A_58 = arith.constant 0 : index
    %get3A_59 = vector.load %arg5[%get3A_57, %get3A_58] : memref<1x128xf32, #tpu.memory_space<vmem>>, vector<1x128xf32>
    %add3A_60 = vector.broadcast %get3A_59 : vector<1x128xf32> to vector<5120x128xf32>
    %add3A_61 = arith.addf %dot_general3A_56, %add3A_60 : vector<5120x128xf32>
    %swap3A = arith.constant 0 : index
    %swap3A_62 = arith.constant 0 : index
    %swap3A_63 = vector.load %arg6[%swap3A, %swap3A_62] : memref<5120x128xf32, #tpu.memory_space<vmem>>, vector<5120x128xf32>
    tpu.vector_store %arg6[%swap3A, %swap3A_62], %add3A_61 {strides = array<i32>} : memref<5120x128xf32, #tpu.memory_space<vmem>>, vector<5120x128xf32>,
    return
  }
  func.func @transform_0(%arg0: i32) -> (i32, i32) {
    %c0_i32 = arith.constant 0 : i32
    %c0_i32_0 = arith.constant 0 : i32
    return %arg0, %c0_i32 : i32, i32
  }
  func.func @transform_1(%arg0: i32) -> (i32, i32, i32) {
    %c0_i32 = arith.constant 0 : i32
    %c0_i32_0 = arith.constant 0 : i32
    %c0_i32_1 = arith.constant 0 : i32
    return %c0_i32, %arg0, %c0_i32_0 : i32, i32, i32
  }
  func.func @transform_2(%arg0: i32) -> (i32, i32) {
    %c0_i32 = arith.constant 0 : i32
    %c0_i32_0 = arith.constant 0 : i32
    return %c0_i32, %arg0 : i32, i32
  }
  func.func @transform_3(%arg0: i32) -> (i32, i32) {
    %c0_i32 = arith.constant 0 : i32
    %c0_i32_0 = arith.constant 0 : i32
    %c0_i32_1 = arith.constant 0 : i32
    return %c0_i32, %c0_i32_0 : i32, i32
  }
  func.func @transform_4(%arg0: i32) -> (i32, i32) {
    %c0_i32 = arith.constant 0 : i32
    %c0_i32_0 = arith.constant 0 : i32
    %c0_i32_1 = arith.constant 0 : i32
    return %c0_i32, %c0_i32_0 : i32, i32
  }
  func.func @transform_5(%arg0: i32) -> (i32, i32) {
    %c0_i32 = arith.constant 0 : i32
    %c0_i32_0 = arith.constant 0 : i32
    return %arg0, %c0_i32 : i32, i32
  }
}

module attributes {stable_mosaic.version = 14 : i64} {
  func.func @_tc_lin1_body(%arg0: i32, %arg1: memref<5120x128xf32, #tpu.memory_space<vmem>>, %arg2: memref<128x128xf32, #tpu.memory_space<vmem>>, %arg3: memref<1x128xf32, #tpu.memory_space<vmem>>, %arg4: memref<2x5120xf32, #tpu.memory_space<vmem>>, %arg5: memref<5120x128xf32, #tpu.memory_space<vmem>>) attributes {dimension_semantics = [#tpu.dimension_semantics<arbitrary>], iteration_bounds = array<i64: 2>, scalar_prefetch = 0 : i64, scratch_operands = 0 : i64, tpu.core_type = #tpu.core_type<tc>, window_params = [{transform_indices = @transform_0, window_bounds = array<i64: 5120, 128>}, {pipeline_mode = #tpu.pipeline_mode<synchronous>, transform_indices = @transform_1, window_bounds = array<i64: 128, 128>}, {pipeline_mode = #tpu.pipeline_mode<synchronous>, transform_indices = @transform_2, window_bounds = array<i64: 1, 128>}, {transform_indices = @transform_3, window_bounds = array<i64: 2, 5120>}, {transform_indices = @transform_4, window_bounds = array<i64: 5120, 128>}]} {
    %get3A = arith.constant 0 : index
    %get3A_0 = arith.constant 0 : index
    %get3A_1 = vector.load %arg1[%get3A, %get3A_0] : memref<5120x128xf32, #tpu.memory_space<vmem>>, vector<5120x128xf32>
    %get3A_2 = arith.constant 0 : index
    %get3A_3 = arith.constant 0 : index
    %get3A_4 = vector.load %arg2[%get3A_2, %get3A_3] : memref<128x128xf32, #tpu.memory_space<vmem>>, vector<128x128xf32>
    %dot_general3A = arith.constant dense<0.000000e+00> : vector<5120x128xf32>
    %dot_general3A_5 = tpu.matmul %get3A_1, %get3A_4, %dot_general3A {dimension_numbers = #tpu.dot_dimension_numbers<[1], [0], [0], [1], [0, 0, 1, 1], [], []>, transpose_lhs_hint = false} : vector<5120x128xf32>, vector<128x128xf32>, vector<5120x128xf32> -> vector<5120x128xf32>
    %get3A_6 = arith.constant 0 : index
    %get3A_7 = arith.constant 0 : index
    %get3A_8 = vector.load %arg3[%get3A_6, %get3A_7] : memref<1x128xf32, #tpu.memory_space<vmem>>, vector<1x128xf32>
    %add3A = vector.broadcast %get3A_8 : vector<1x128xf32> to vector<5120x128xf32>
    %add3A_9 = arith.addf %dot_general3A_5, %add3A : vector<5120x128xf32>
    %get3A_10 = arith.constant 0 : index
    %get3A_11 = arith.constant 0 : index
    %get3A_12 = vector.load %arg4[%get3A_10, %get3A_11] : memref<2x5120xf32, #tpu.memory_space<vmem>>, vector<1x5120xf32>
    %get3A_13 = vector.shape_cast %get3A_12 : vector<1x5120xf32> to vector<5120xf32>
    %get3A_14 = arith.constant 1 : index
    %get3A_15 = arith.constant 0 : index
    %get3A_16 = vector.load %arg4[%get3A_14, %get3A_15] : memref<2x5120xf32, #tpu.memory_space<vmem>>, vector<1x5120xf32>
    %get3A_17 = vector.shape_cast %get3A_16 : vector<1x5120xf32> to vector<5120xf32>
    %add3A_18 = arith.addf %get3A_13, %get3A_17 : vector<5120xf32>
    %add3A_19 = arith.constant 1.000000e+00 : f32
    %add3A_20 = vector.broadcast %add3A_19 : f32 to vector<5120xf32>
    %add3A_21 = arith.addf %add3A_18, %add3A_20 : vector<5120xf32>
    %rsqrt3A = math.rsqrt %add3A_21 : vector<5120xf32>
    %broadcast_in_dim3A = vector.shape_cast %rsqrt3A : vector<5120xf32> to vector<5120x1xf32>
    %mul3A = vector.broadcast %broadcast_in_dim3A : vector<5120x1xf32> to vector<5120x128xf32>
    %mul3A_22 = arith.mulf %add3A_9, %mul3A : vector<5120x128xf32>
    %swap3A = arith.constant 0 : index
    %swap3A_23 = arith.constant 0 : index
    %swap3A_24 = vector.load %arg5[%swap3A, %swap3A_23] : memref<5120x128xf32, #tpu.memory_space<vmem>>, vector<5120x128xf32>
    tpu.vector_store %arg5[%swap3A, %swap3A_23], %mul3A_22 {strides = array<i32>} : memref<5120x128xf32, #tpu.memory_space<vmem>>, vector<5120x128xf32>,
    return
  }
  func.func @transform_0(%arg0: i32) -> (i32, i32) {
    %c0_i32 = arith.constant 0 : i32
    %c0_i32_0 = arith.constant 0 : i32
    return %arg0, %c0_i32 : i32, i32
  }
  func.func @transform_1(%arg0: i32) -> (i32, i32) {
    %c0_i32 = arith.constant 0 : i32
    %c0_i32_0 = arith.constant 0 : i32
    %c0_i32_1 = arith.constant 0 : i32
    return %c0_i32, %c0_i32_0 : i32, i32
  }
  func.func @transform_2(%arg0: i32) -> (i32, i32) {
    %c0_i32 = arith.constant 0 : i32
    %c0_i32_0 = arith.constant 0 : i32
    %c0_i32_1 = arith.constant 0 : i32
    return %c0_i32, %c0_i32_0 : i32, i32
  }
  func.func @transform_3(%arg0: i32) -> (i32, i32) {
    %c0_i32 = arith.constant 0 : i32
    %c0_i32_0 = arith.constant 0 : i32
    return %c0_i32, %arg0 : i32, i32
  }
  func.func @transform_4(%arg0: i32) -> (i32, i32) {
    %c0_i32 = arith.constant 0 : i32
    %c0_i32_0 = arith.constant 0 : i32
    return %arg0, %c0_i32 : i32, i32
  }
}

</mosaic_0001>

<sc_bundles>
// kernel: kernel.6.cloned.1.call-start
scs
__scs_entry_jumppad:
0x0: {  	(pc) =	sbr.rel $0x88, $3  }
0x1: {  	(tag) =	ssettag $0x0;
	lr =	simm.s32 $0x1  }
0x2: {  	[smem:$0x3F9B] =	sst lr;
	_ =	strace $0xD0000000  }
0x3: {  	_ = 	snop  }
0x4: {  	_ = 	snop  }
0x5: {  	_ = 	snop  }
0x6: {  	_ = 	snop  }
0x7: {  	_ = 	snop  }
__scs_overlays_trampoline_lowered:
0x8: {  	[smem:$0x3FAA] =	sst s0  }
0x9: {  	[smem:$0x3FAB] =	sst s1  }
0xa: {  	[smem:$0x3FAC] =	sst s2  }
0xb: {  	[smem:$0x3FAD] =	sst s3  }
0xc: {  	[smem:$0x3FAE] =	sst s4  }
0xd: {  	[smem:$0x3FAF] =	sst s5  }
0xe: {  	[smem:$0x3FB0] =	sst s6  }
0xf: {  	[smem:$0x3FB1] =	sst s7  }
0x10: {  	[smem:$0x3FB2] =	sst s8  }
0x11: {  	[smem:$0x3FB3] =	sst s9;
	s0 =	simm.s32 @!p0 $0x0  }
0x12: {  	s1 =	sld [smem:$0x3F99];
	s0 =	simm.s32 @p0 $0x1  }
0x13: {  	[smem:$0x3FB4] =	sst s0;
	s0 =	simm.s32 @!p1 $0x0  }
0x14: {  	s2 =	sld [smem:$0x3F98];
	s0 =	simm.s32 @p1 $0x1  }
0x15: {  	[smem:$0x3FB5] =	sst s0;
	s0 =	simm.s32 @!p2 $0x0  }
0x16: {  	s3 =	sld [smem:$0x3FDB];
	s0 =	simm.s32 @p2 $0x1  }
0x17: {  	s4 =	simm.s32 $0x1BF5;
	[smem:$0x3FB7] =	sst s0  }
0x18: {  	s0 =	sld [smem:$0x3F9A];
	_ =	swait.ge [sflag:s4], $0x0  }
0x19: {  	s7 =	sld [smem:$0x3F9B]  }
0x1a: {  	s8 =	sadd.s32 $0xFFFFE003, lr  }
0x1b: {  	s9 =	sadd.s32 $0xFFFFFEF7, lr;
	s5 =	simm.s32 $0xFFFFFFFF;
	p2 =	slt.u32 s8, $0xFFFFF086  }
0x1c: {  	p1 =	slt.u32 s9, $0xF7A;
	s5 =	simm.s32 @!p2 $0x0  }
0x1d: {  	s5 =	simm.s32 @p1 $0x1;
	p0 =	seq.s32 s7, s2  }
0x1e: {  	s7 =	smul.u32 @!p0 $0xF7A, s2;
	p2 =	seq.s32 @!p0 s5, $0x0  }
0x1f: {  	s9 =	smul.u32 $0xF7A, s1;
	s8 =	simm.s32 @!p0 $0x1BF5;
	p2 =	por !p2, p0  }
0x20: {  	[sflag:s8] =	ssyncset.s32 @!p0 $0xFFFFF086;
	s6 =	sadd.s32 @!p0 s3, s7;
	s7 =	simm.s32 @!p0 $0x108  }
0x21: {  	s3 =	sadd.s32 s3, s9;
	s6 =	sadd.s32 @!p0 $0x88, s6;
	s7 =	simm.s32 @p2 $0x1082  }
0x22: {  	[simem:s7], [sflag:s8] =	dma.local @!p0 [hbm:s6], $0xF7A  }
0x23: {  	s9 =	sor.u32 $0xD0000000, s2;
	s6 =	simm.s32 $0x108;
	_ =	swait.ge @!p0 [sflag:s8], $0x0  }
0x24: {  	s3 =	sadd.s32 $0x88, s3;
	s6 =	simm.s32 @!p1 $0x1082;
	[sflag:s4] =	ssyncset.s32 $0xFFFFF086  }
0x25: {  	[simem:s6], [sflag:s4] =	dma.local [hbm:s3], $0xF7A  }
0x26: {  	[smem:$0x3F9B] =	sst s1;
	(tag) =	ssettag s2;
	_ =	strace s9  }
0x27: {  	s1 =	sld [smem:$0x3FAB]  }
0x28: {  	s2 =	sld [smem:$0x3FAC]  }
0x29: {  	s4 =	sld [smem:$0x3FAE]  }
0x2a: {  	p0 =	seq.s32 s5, $0x0;
	s5 =	sld [smem:$0x3FAF]  }
0x2b: {  	s6 =	sld [smem:$0x3FB0]  }
0x2c: {  	s7 =	sld [smem:$0x3FB1]  }
0x2d: {  	s3 =	simm.s32 $0x108;
	s8 =	sld [smem:$0x3FB2]  }
0x2e: {  	s3 =	simm.s32 @!p0 $0x1082;
	s9 =	sld [smem:$0x3FB3]  }
0x2f: {  	lr =	sadd.s32 s0, s3;
	s0 =	sld [smem:$0x3FAA]  }
0x30: {  	s3 =	sld [smem:$0x3FAD]  }
0x31: {  	[smem:$0x3FB6] =	sst s10  }
0x32: {  	s10 =	sld [smem:$0x3FB4];
	_ =	sdelay $0x3  }
0x33: {  	p0 =	seq.s32 s10, $0x1;
	s10 =	sld [smem:$0x3FB6];
	_ =	sdelay $0x3  }
0x34: {  	[smem:$0x3FB6] =	sst s10  }
0x35: {  	s10 =	sld [smem:$0x3FB5];
	_ =	sdelay $0x3  }
0x36: {  	p1 =	seq.s32 s10, $0x1;
	s10 =	sld [smem:$0x3FB6];
	_ =	sdelay $0x3  }
0x37: {  	[smem:$0x3FB6] =	sst s10  }
0x38: {  	s10 =	sld [smem:$0x3FB7]  }
0x39: {  	_ = 	snop;
	(pc) =	sbr.ind lr, $3  }
0x3a: {  	_ = 	snop  }
0x3b: {  	_ = 	snop  }
0x3c: {  	p2 =	seq.s32 s10, $0x1;
	s10 =	sld [smem:$0x3FB6]  }
0x3d: {  	_ =	shalt  }
0x3e: {  	_ =	shalt  }
0x3f: {  	_ =	shalt  }
0x40: {  	_ =	shalt  }
0x41: {  	_ =	shalt  }
0x42: {  	_ =	shalt  }
0x43: {  	_ =	shalt  }
0x44: {  	_ =	shalt  }
0x45: {  	_ =	shalt  }
0x46: {  	_ =	shalt  }
0x47: {  	_ =	shalt  }
0x48: {  	_ =	shalt  }
0x49: {  	_ =	shalt  }
0x4a: {  	_ =	shalt  }
0x4b: {  	_ =	shalt  }
0x4c: {  	_ =	shalt  }
0x4d: {  	_ =	shalt  }
0x4e: {  	_ =	shalt  }
0x4f: {  	_ =	shalt  }
0x50: {  	_ =	shalt  }
0x51: {  	_ =	shalt  }
0x52: {  	_ =	shalt  }
0x53: {  	_ =	shalt  }
0x54: {  	_ =	shalt  }
0x55: {  	_ =	shalt  }
0x56: {  	_ =	shalt  }
0x57: {  	_ =	shalt  }
0x58: {  	_ =	shalt  }
0x59: {  	_ =	shalt  }
0x5a: {  	_ =	shalt  }
0x5b: {  	_ =	shalt  }
0x5c: {  	_ =	shalt  }
0x5d: {  	_ =	shalt  }
0x5e: {  	_ =	shalt  }
0x5f: {  	_ =	shalt  }
0x60: {  	_ =	shalt  }
0x61: {  	_ =	shalt  }
0x62: {  	_ =	shalt  }
0x63: {  	_ =	shalt  }
0x64: {  	_ =	shalt  }
0x65: {  	_ =	shalt  }
0x66: {  	_ =	shalt  }
0x67: {  	_ =	shalt  }
0x68: {  	_ =	shalt  }
0x69: {  	_ =	shalt  }
0x6a: {  	_ =	shalt  }
0x6b: {  	_ =	shalt  }
0x6c: {  	_ =	shalt  }
0x6d: {  	_ =	shalt  }
0x6e: {  	_ =	shalt  }
0x6f: {  	_ =	shalt  }
0x70: {  	_ =	shalt  }
0x71: {  	_ =	shalt  }
0x72: {  	_ =	shalt  }
0x73: {  	_ =	shalt  }
0x74: {  	_ =	shalt  }
0x75: {  	_ =	shalt  }
0x76: {  	_ =	shalt  }
0x77: {  	_ =	shalt  }
0x78: {  	_ =	shalt  }
0x79: {  	_ =	shalt  }
0x7a: {  	_ =	shalt  }
0x7b: {  	_ =	shalt  }
0x7c: {  	_ =	shalt  }
0x7d: {  	_ =	shalt  }
0x7e: {  	_ =	shalt  }
0x7f: {  	_ =	shalt  }
0x80: {  	_ =	shalt  }
0x81: {  	_ =	shalt  }
0x82: {  	_ =	shalt  }
0x83: {  	_ =	shalt  }
0x84: {  	_ =	shalt  }
0x85: {  	_ =	shalt  }
0x86: {  	_ =	shalt  }
0x87: {  	_ =	shalt  }
.Lfunc_end0:
.L_simem_size_0:
called_computation_lowered:
.L_overlay_start_0:
0x88: {  	s2 =	sld [smem:$0x3FD9]  }
0x89: {  	s3 =	sld [smem:$0x3FFE];
	_ =	sdelay $0x1  }
0x8a: {  	s1 =	srdreg.scid  }
0x8b: {  	s0 =	sand.u32 $0x1, s1  }
0x8c: {  	s17 =	sshll.u32 s0, $0xA;
	s2 =	sadd.s32 s3, s2  }
0x8d: {  	s2 =	sadd.s32 s2, s17  }
0x8e: {  	[smem:$0x3FC2] =	sst s2  }
0x8f: {  	_ = 	snop  }
0x90: {  	s2 =	sld [smem:$0x3FD0];
	(tm) =	ssettm $0x1  }
0x91: {  	s18 =	sld [smem:$0x3FFB];
	_ =	sdelay $0x3  }
0x92: {  	_ =	strace s18  }
0x93: {  	s3 =	sld [smem:$0x3FFC];
	_ =	sdelay $0x3  }
0x94: {  	_ =	strace s3  }
0x95: {  	s3 =	sld [smem:$0x3FFD];
	_ =	sdelay $0x3  }
0x96: {  	_ =	strace s3  }
0x97: {  	_ =	strace $0x8FFFFFFF  }
0x98: {  	s19 =	sld [smem:$0x3FDB];
	_ =	sdelay $0x1  }
0x99: {  	s4 =	simm.s32 $_scs_section_size  }
0x9a: {  	s5 =	simm.s32 $_size__tile_overlayer_lowered;
	s6 =	simm.s32 $_tile_overlayer_lowered  }
0x9b: {  	s22 =	simm.s32 $0x1BFF;
	s21 =	sshll.u32 s6, $0x1;
	s3 =	sadd.s32 s4, s19  }
0x9c: {  	s7 =	simm.s32 $0x0;
	s20 =	sshll.u32 s5, $0x1;
	s5 =	sadd.s32 s21, s3  }
0x9d: {  	[timem:s7], [sflag:s22] =	dma.local [hbm:s5], s20  }
0x9e: {  	_ =	swait.ge [sflag:s22], s20  }
0x9f: {  	s4 =	ssub.s32 $0x0, s20;
	[sflag:s22] =	ssyncset.done $0x0  }
0xa0: {  	[sflag:s22] =	ssyncadd.s32 s4;
	_ =	sdelay $0x1  }
0xa1: {  	s23 =	simm.s32 $0x1B8B  }
0xa2: {  	_ =	swait.ge [sflag:s23], $0x1  }
0xa3: {  	[sflag:s23] =	ssyncset.done $0x0  }
0xa4: {  	s25 =	simm.s32 $0x1B8E;
	s24 =	sld [smem:$0x3FFE];
	[sflag:s23] =	ssyncadd.s32 $0xFFFFFFFF  }
0xa5: {  	s26 =	simm.s32 $execute0_lowered;
	[smem:$0x3FD2] =	sst s25  }
0xa6: {  	s5 =	sshll.u32 s26, $0x1;
	_ =	strace $0x80000046;
	[dreg:$0x1] =	wrdreg $0xFFFFFFFF  }
0xa7: {  	s28 =	simm.s32 $_size_execute0_lowered;
	s3 =	sadd.s32 s3, s5;
	[dreg:$0x0] =	wrdreg $0x0  }
0xa8: {  	s5 =	sshll.u32 s28, $0x1;
	[dreg:$0x2] =	wrdreg s3  }
0xa9: {  	[dreg:$0x3] =	wrdreg s5  }
0xaa: {  	[dreg:$0x4] =	wrdreg $0xC0  }
0xab: {  	_ =	task [dreg:s7], $0x5FFFF  }
0xac: {  	[dreg:$0x1] =	wrdreg $0xFFFFFFFF  }
0xad: {  	[dreg:$0x0] =	wrdreg $0x60  }
0xae: {  	[dreg:$0x2] =	wrdreg s24  }
0xaf: {  	[dreg:$0x3] =	wrdreg s2  }
0xb0: {  	[dreg:$0x4] =	wrdreg $0x2B000  }
0xb1: {  	[dreg:$0x5] =	wrdreg $0x9  }
0xb2: {  	_ =	task.clear_ibuf [dreg:s7], $0x6FFFF;
	_ =	strace $0x90000046  }
0xb3: {  	s29 =	simm.s32 $0x9;
	_ =	strace $0x80000048  }
0xb4: {  	_ =	swait.ge [sflag:s29], $0x1  }
0xb5: {  	[sflag:s29] =	ssyncadd.s32 $0xFFFFFFFF  }
0xb6: {  	_ =	strace $0x90000048  }
0xb7: {  	_ =	sfence  }
0xb8: {  	s30 =	sld [smem:$0x0];
	_ =	sdelay $0x2  }
0xb9: {  	s31 =	sshll.u32 s1, $0xD;
	s1 =	sshrl.u32 s1, $0x2  }
0xba: {  	s3 =	sand.u32 $0x4000, s31;
	s1 =	sadd.s32 s1, s30  }
0xbb: {  	s0 =	sor.u32 s3, s0;
	s1 =	sshll.u32 s1, $0x11  }
0xbc: {  	s0 =	sor.u32 s1, s0  }
0xbd: {  	s0 =	sadd.s32 $0x8F2B, s0  }
0xbe: {  	[sflag:s0] =	ssyncadd.remote.s32 $0x1  }
0xbf: {  	_ =	sfence.sel $0xFFFF  }
0xc0: {  	[dreg:$0x0] =	wrdreg $0xFFFFFFFF;
	(pc) =	sbr.abs _section_cstart, $3  }
0xc1: {  	[dreg:$0x1] =	wrdreg $0xFFFFFFFF  }
0xc2: {  	_ =	task.clear_ibuf [dreg:s7], $0x2FFFF;
	_ =	strace $0x9FFFFFFF  }
0xc3: {  	(tm) =	ssettm $0x7FFFFFFF  }
tec
execute0_lowered:
.L_overlay_start_1:
0x0: {  	(tag) =	ssettag $0x1  }
0x1: {  	s3 =	rddreg [dreg:$0x0]  }
0x2: {  	s0 =	srdreg.scid;
	s5 =	rddreg [dreg:$0x1]  }
0x3: {  	s11 =	stileid.u32;
	s1 =	rddreg [dreg:$0x2]  }
0x4: {  	s2 =	simm.s32 $0x0;
	s4 =	sand.u32 $0x1, s0;
	s0 =	rddreg [dreg:$0x3]  }
0x5: {  	s10 =	simm.s32 $0x2800;
	s13 =	simm.s32 $0x0;
	[smem:$0x7FF] =	sst s2  }
0x6: {  	s8 =	smul.u32 $0xA00, s11;
	p0 =	sne.s32 s11, $0x0;
	s6 =	sshll.u32 s4, $0x4  }
0x7: {  	s4 =	ssub.s32 $0x2, s4;
	_ =	strace $0x80000047;
	s7 =	sor.u32 s11, s6  }
0x8: {  	s12 =	sshrl.u32 @!p0 s1, $0x3;
	s9 =	sshrl.u32 s4, $0x1;
	s7 =	smul.u32 $0x2800, s7  }
0x9: {  	s31 =	sshrl.u32 s8, $0x2;
	s5 =	sadd.s32 s5, s6;
	s8 =	simm.s32 $0x2880  }
0xa: {  	s11 =	simm.s32 $0x1;
	s9 =	ssub.s32 s4, s9;
	s7 =	sshrl.u32 s7, $0x3  }
0xb: {  	s4 =	sadd.s32 s31, s1;
	s6 =	smax.u32 s9, $0x1;
	s3 =	sadd.s32 s3, s7  }
0xc: {  	v0 =	vimm.f32 $1.000000000e+00;
	v1 =	vimm.f32 $0.0e+00;
	s9 =	simm.s32 $0x7D;
	s7 =	simm.s32 $0x2;
	s3 =	sadd.s32 $0xC000, s3  }
.LBB2_1:
0xd: {  	[tilespmem:$0x2800] =	vst v0  }
0xe: {  	[tilespmem:$0x2810] =	vst v0  }
0xf: {  	[tilespmem:$0x2820] =	vst v0  }
0x10: {  	[tilespmem:$0x2830] =	vst v0  }
0x11: {  	[tilespmem:$0x2840] =	vst v0  }
0x12: {  	[tilespmem:$0x2850] =	vst v0  }
0x13: {  	[tilespmem:$0x2860] =	vst v0  }
0x14: {  	[tilespmem:$0x2870] =	vst v0  }
0x15: {  	[tilespmem:$0x2880] =	vst v1  }
0x16: {  	[tilespmem:$0x2890] =	vst v1  }
0x17: {  	[tilespmem:$0x28A0] =	vst v1  }
0x18: {  	[tilespmem:$0x28B0] =	vst v1  }
0x19: {  	[tilespmem:$0x28C0] =	vst v1  }
0x1a: {  	[tilespmem:$0x28D0] =	vst v1  }
0x1b: {  	[tilespmem:$0x28E0] =	vst v1  }
0x1c: {  	[tilespmem:$0x28F0] =	vst v1  }
0x1d: {  	[tilespmem:$0x2900] =	vst v1  }
0x1e: {  	[tilespmem:$0x2910] =	vst v1  }
0x1f: {  	[tilespmem:$0x2920] =	vst v1  }
0x20: {  	[tilespmem:$0x2930] =	vst v1  }
0x21: {  	[tilespmem:$0x2940] =	vst v1  }
0x22: {  	[tilespmem:$0x2950] =	vst v1  }
0x23: {  	[tilespmem:$0x2960] =	vst v1  }
0x24: {  	[tilespmem:$0x2970] =	vst v1  }
0x25: {  	[tilespmem:$0x2980] =	vst v1  }
0x26: {  	[tilespmem:$0x2990] =	vst v1  }
0x27: {  	[tilespmem:$0x29A0] =	vst v1  }
0x28: {  	[tilespmem:$0x29B0] =	vst v1  }
0x29: {  	[tilespmem:$0x29C0] =	vst v1  }
0x2a: {  	[tilespmem:$0x29D0] =	vst v1  }
0x2b: {  	[tilespmem:$0x29E0] =	vst v1  }
0x2c: {  	[tilespmem:$0x29F0] =	vst v1  }
0x2d: {  	[tilespmem:$0x2A00] =	vst v1  }
0x2e: {  	[tilespmem:$0x2A10] =	vst v1  }
0x2f: {  	[tilespmem:$0x2A20] =	vst v1  }
0x30: {  	[tilespmem:$0x2A30] =	vst v1  }
0x31: {  	[tilespmem:$0x2A40] =	vst v1  }
0x32: {  	[tilespmem:$0x2A50] =	vst v1  }
0x33: {  	[tilespmem:$0x2A60] =	vst v1  }
0x34: {  	[tilespmem:$0x2A70] =	vst v1  }
0x35: {  	[tilespmem:$0x2A80] =	vst v1  }
0x36: {  	[tilespmem:$0x2A90] =	vst v1  }
0x37: {  	[tilespmem:$0x2AA0] =	vst v1  }
0x38: {  	[tilespmem:$0x2AB0] =	vst v1  }
0x39: {  	[tilespmem:$0x2AC0] =	vst v1  }
0x3a: {  	[tilespmem:$0x2AD0] =	vst v1  }
0x3b: {  	[tilespmem:$0x2AE0] =	vst v1  }
0x3c: {  	[tilespmem:$0x2AF0] =	vst v1  }
0x3d: {  	[tilespmem:s2], [sflag:$0x2] =	stream.linear.gather [hbm4b:s3+s2], $0x2800, $0x38;
	[tilespmem:$0x2D80] =	vst v63  }
0x3e: {  	_ =	swait.ge [sflag:s7], $0x2800  }
0x3f: {  	[sflag:s7] =	ssyncset.done $0x0  }
0x40: {  	[sflag:s7] =	ssyncadd.s32 $0xFFFFD800  }
0x41: {  	[spmem:s4] =	stream.linear.scatter [tilespmem:s8], [sflag:$0x2], $0x280, $0x38;
	[tilespmem:$0x2D80] =	vst v63  }
0x42: {  	_ =	swait.ge [sflag:s7], $0x280  }
0x43: {  	[sflag:s7] =	ssyncset.done $0x0  }
0x44: {  	[sflag:s7] =	ssyncadd.s32 $0xFFFFFD80  }
0x45: {  	s14 =	simm.s32 $0x0;
	[bflag:$0x0] =	sbarrier.arrive $0xFFFF  }
0x46: {  	[spmem:s1] =	stream.indirect.scatter.add.f32 [tilespmem:s10], [sflag:$0x1], $0x1, s14, s9, $0xb8;
	[tilespmem:$0x2D80] =	vst v63  }
0x47: {  	s24 =	simm.s32 $0x80  }
0x48: {  	[spmem:s1] =	stream.indirect.scatter.add.f32 [tilespmem:s10], [sflag:$0x1], $0x1, s24, s9, $0xb8;
	[tilespmem:$0x2D80] =	vst v63  }
0x49: {  	s25 =	simm.s32 $0x100  }
0x4a: {  	[spmem:s1] =	stream.indirect.scatter.add.f32 [tilespmem:s10], [sflag:$0x1], $0x1, s25, s9, $0xb8;
	[tilespmem:$0x2D80] =	vst v63  }
0x4b: {  	s26 =	simm.s32 $0x180  }
0x4c: {  	[spmem:s1] =	stream.indirect.scatter.add.f32 [tilespmem:s10], [sflag:$0x1], $0x1, s26, s9, $0xb8;
	[tilespmem:$0x2D80] =	vst v63  }
0x4d: {  	s28 =	simm.s32 $0x200  }
0x4e: {  	[spmem:s1] =	stream.indirect.scatter.add.f32 [tilespmem:s10], [sflag:$0x1], $0x1, s28, s9, $0xb8;
	[tilespmem:$0x2D80] =	vst v63  }
0x4f: {  	s29 =	simm.s32 $0x280  }
0x50: {  	[spmem:s1] =	stream.indirect.scatter.add.f32 [tilespmem:s10], [sflag:$0x1], $0x1, s29, s9, $0xb8;
	[tilespmem:$0x2D80] =	vst v63  }
0x51: {  	s30 =	simm.s32 $0x300  }
0x52: {  	[spmem:s1] =	stream.indirect.scatter.add.f32 [tilespmem:s10], [sflag:$0x1], $0x1, s30, s9, $0xb8;
	[tilespmem:$0x2D80] =	vst v63  }
0x53: {  	s31 =	simm.s32 $0x380  }
0x54: {  	[spmem:s1] =	stream.indirect.scatter.add.f32 [tilespmem:s10], [sflag:$0x1], $0x1, s31, s9, $0xb8;
	[tilespmem:$0x2D80] =	vst v63  }
0x55: {  	_ =	swait.ge [sflag:s11], $0x7D  }
0x56: {  	[sflag:s11] =	ssyncset.done $0x0  }
0x57: {  	[sflag:s11] =	ssyncadd.s32 $0xFFFFFF83  }
0x58: {  	_ =	swait.ge [sflag:s11], $0x7D  }
0x59: {  	[sflag:s11] =	ssyncset.done $0x0  }
0x5a: {  	[sflag:s11] =	ssyncadd.s32 $0xFFFFFF83  }
0x5b: {  	_ =	swait.ge [sflag:s11], $0x7D  }
0x5c: {  	[sflag:s11] =	ssyncset.done $0x0  }
0x5d: {  	[sflag:s11] =	ssyncadd.s32 $0xFFFFFF83  }
0x5e: {  	_ =	swait.ge [sflag:s11], $0x7D  }
0x5f: {  	[sflag:s11] =	ssyncset.done $0x0  }
0x60: {  	[sflag:s11] =	ssyncadd.s32 $0xFFFFFF83  }
0x61: {  	_ =	swait.ge [sflag:s11], $0x7D  }
0x62: {  	[sflag:s11] =	ssyncset.done $0x0  }
0x63: {  	[sflag:s11] =	ssyncadd.s32 $0xFFFFFF83  }
0x64: {  	_ =	swait.ge [sflag:s11], $0x7D  }
0x65: {  	[sflag:s11] =	ssyncset.done $0x0  }
0x66: {  	[sflag:s11] =	ssyncadd.s32 $0xFFFFFF83  }
0x67: {  	_ =	swait.ge [sflag:s11], $0x7D  }
0x68: {  	[sflag:s11] =	ssyncset.done $0x0  }
0x69: {  	[sflag:s11] =	ssyncadd.s32 $0xFFFFFF83  }
0x6a: {  	_ =	swait.ge [sflag:s11], $0x7D  }
0x6b: {  	s16 =	simm.s32 $0x2000;
	s14 =	simm.s32 $0x1000;
	[sflag:s11] =	ssyncset.done $0x0  }
.LBB2_2:
0x6c: {  	s17 =	sshra.s32 s14, $0x2  }
0x6d: {  	[sflag:s11] =	ssyncadd.s32 $0xFFFFFF83;
	s14 =	smov.u32 s16;
	s15 =	sadd.s32 $0x1000, s16  }
0x6e: {  	[spmem:s1] =	stream.indirect.scatter.add.f32 [tilespmem:s10], [sflag:$0x1], $0x1, s17, s9, $0xb8;
	[tilespmem:$0x2D80] =	vst v63  }
0x6f: {  	p1 =	sne.s32 s16, $0x9000;
	s16 =	sadd.s32 $0x80, s17  }
0x70: {  	[spmem:s1] =	stream.indirect.scatter.add.f32 [tilespmem:s10], [sflag:$0x1], $0x1, s16, s9, $0xb8;
	[tilespmem:$0x2D80] =	vst v63  }
0x71: {  	s16 =	sadd.s32 $0x100, s17  }
0x72: {  	[spmem:s1] =	stream.indirect.scatter.add.f32 [tilespmem:s10], [sflag:$0x1], $0x1, s16, s9, $0xb8;
	[tilespmem:$0x2D80] =	vst v63  }
0x73: {  	s16 =	sadd.s32 $0x180, s17  }
0x74: {  	[spmem:s1] =	stream.indirect.scatter.add.f32 [tilespmem:s10], [sflag:$0x1], $0x1, s16, s9, $0xb8;
	[tilespmem:$0x2D80] =	vst v63  }
0x75: {  	s16 =	sadd.s32 $0x200, s17  }
0x76: {  	[spmem:s1] =	stream.indirect.scatter.add.f32 [tilespmem:s10], [sflag:$0x1], $0x1, s16, s9, $0xb8;
	[tilespmem:$0x2D80] =	vst v63  }
0x77: {  	s16 =	sadd.s32 $0x280, s17  }
0x78: {  	[spmem:s1] =	stream.indirect.scatter.add.f32 [tilespmem:s10], [sflag:$0x1], $0x1, s16, s9, $0xb8;
	[tilespmem:$0x2D80] =	vst v63  }
0x79: {  	s16 =	sadd.s32 $0x300, s17  }
0x7a: {  	[spmem:s1] =	stream.indirect.scatter.add.f32 [tilespmem:s10], [sflag:$0x1], $0x1, s16, s9, $0xb8;
	[tilespmem:$0x2D80] =	vst v63  }
0x7b: {  	s16 =	sadd.s32 $0x380, s17  }
0x7c: {  	[spmem:s1] =	stream.indirect.scatter.add.f32 [tilespmem:s10], [sflag:$0x1], $0x1, s16, s9, $0xb8;
	[tilespmem:$0x2D80] =	vst v63  }
0x7d: {  	_ =	swait.ge [sflag:s11], $0x7D  }
0x7e: {  	[sflag:s11] =	ssyncset.done $0x0  }
0x7f: {  	[sflag:s11] =	ssyncadd.s32 $0xFFFFFF83  }
0x80: {  	_ =	swait.ge [sflag:s11], $0x7D  }
0x81: {  	[sflag:s11] =	ssyncset.done $0x0  }
0x82: {  	[sflag:s11] =	ssyncadd.s32 $0xFFFFFF83  }
0x83: {  	_ =	swait.ge [sflag:s11], $0x7D  }
0x84: {  	[sflag:s11] =	ssyncset.done $0x0  }
0x85: {  	[sflag:s11] =	ssyncadd.s32 $0xFFFFFF83  }
0x86: {  	_ =	swait.ge [sflag:s11], $0x7D  }
0x87: {  	[sflag:s11] =	ssyncset.done $0x0  }
0x88: {  	[sflag:s11] =	ssyncadd.s32 $0xFFFFFF83  }
0x89: {  	_ =	swait.ge [sflag:s11], $0x7D  }
0x8a: {  	[sflag:s11] =	ssyncset.done $0x0  }
0x8b: {  	[sflag:s11] =	ssyncadd.s32 $0xFFFFFF83  }
0x8c: {  	_ =	swait.ge [sflag:s11], $0x7D  }
0x8d: {  	[sflag:s11] =	ssyncset.done $0x0  }
0x8e: {  	[sflag:s11] =	ssyncadd.s32 $0xFFFFFF83  }
.Ltmp0:
0x8f: {  	_ =	swait.ge [sflag:s11], $0x7D;
	(pc) =	sbr.rel @p1 .LBB2_2-.Ltmp0, $4  }
0x90: {  	[sflag:s11] =	ssyncset.done $0x0  }
0x91: {  	[sflag:s11] =	ssyncadd.s32 $0xFFFFFF83  }
0x92: {  	_ =	swait.ge [sflag:s11], $0x7D  }
0x93: {  	s16 =	smov.u32 s15;
	[sflag:s11] =	ssyncset.done $0x0  }
0x94: {  	s14 =	sshra.s32 s14, $0x2;
	[sflag:s11] =	ssyncadd.s32 $0xFFFFFF83  }
0x95: {  	[spmem:s1] =	stream.indirect.scatter.add.f32 [tilespmem:s10], [sflag:$0x1], $0x1, s14, s9, $0xb8;
	[tilespmem:$0x2D80] =	vst v63  }
0x96: {  	s15 =	sadd.s32 $0x80, s14  }
0x97: {  	[spmem:s1] =	stream.indirect.scatter.add.f32 [tilespmem:s10], [sflag:$0x1], $0x1, s15, s9, $0xb8;
	[tilespmem:$0x2D80] =	vst v63  }
0x98: {  	s26 =	sadd.s32 $0x100, s14  }
0x99: {  	[spmem:s1] =	stream.indirect.scatter.add.f32 [tilespmem:s10], [sflag:$0x1], $0x1, s26, s9, $0xb8;
	[tilespmem:$0x2D80] =	vst v63  }
0x9a: {  	s28 =	sadd.s32 $0x180, s14  }
0x9b: {  	[spmem:s1] =	stream.indirect.scatter.add.f32 [tilespmem:s10], [sflag:$0x1], $0x1, s28, s9, $0xb8;
	[tilespmem:$0x2D80] =	vst v63  }
0x9c: {  	s29 =	sadd.s32 $0x200, s14  }
0x9d: {  	[spmem:s1] =	stream.indirect.scatter.add.f32 [tilespmem:s10], [sflag:$0x1], $0x1, s29, s9, $0xb8;
	[tilespmem:$0x2D80] =	vst v63  }
0x9e: {  	s30 =	sadd.s32 $0x280, s14  }
0x9f: {  	[spmem:s1] =	stream.indirect.scatter.add.f32 [tilespmem:s10], [sflag:$0x1], $0x1, s30, s9, $0xb8;
	[tilespmem:$0x2D80] =	vst v63  }
0xa0: {  	s31 =	sadd.s32 $0x300, s14  }
0xa1: {  	[spmem:s1] =	stream.indirect.scatter.add.f32 [tilespmem:s10], [sflag:$0x1], $0x1, s31, s9, $0xb8;
	[tilespmem:$0x2D80] =	vst v63  }
0xa2: {  	s14 =	sadd.s32 $0x380, s14  }
0xa3: {  	[spmem:s1] =	stream.indirect.scatter.add.f32 [tilespmem:s10], [sflag:$0x1], $0x1, s14, s9, $0xb8;
	[tilespmem:$0x2D80] =	vst v63  }
0xa4: {  	_ =	swait.ge [sflag:s11], $0x7D  }
0xa5: {  	[sflag:s11] =	ssyncset.done $0x0  }
0xa6: {  	[sflag:s11] =	ssyncadd.s32 $0xFFFFFF83  }
0xa7: {  	_ =	swait.ge [sflag:s11], $0x7D  }
0xa8: {  	[sflag:s11] =	ssyncset.done $0x0  }
0xa9: {  	[sflag:s11] =	ssyncadd.s32 $0xFFFFFF83  }
0xaa: {  	_ =	swait.ge [sflag:s11], $0x7D  }
0xab: {  	[sflag:s11] =	ssyncset.done $0x0  }
0xac: {  	[sflag:s11] =	ssyncadd.s32 $0xFFFFFF83  }
0xad: {  	_ =	swait.ge [sflag:s11], $0x7D  }
0xae: {  	[sflag:s11] =	ssyncset.done $0x0  }
0xaf: {  	[sflag:s11] =	ssyncadd.s32 $0xFFFFFF83  }
0xb0: {  	_ =	swait.ge [sflag:s11], $0x7D  }
0xb1: {  	[sflag:s11] =	ssyncset.done $0x0  }
0xb2: {  	[sflag:s11] =	ssyncadd.s32 $0xFFFFFF83  }
0xb3: {  	_ =	swait.ge [sflag:s11], $0x7D  }
0xb4: {  	[sflag:s11] =	ssyncset.done $0x0  }
0xb5: {  	[sflag:s11] =	ssyncadd.s32 $0xFFFFFF83  }
0xb6: {  	_ =	swait.ge [sflag:s11], $0x7D  }
0xb7: {  	[sflag:s11] =	ssyncset.done $0x0  }
0xb8: {  	[sflag:s11] =	ssyncadd.s32 $0xFFFFFF83  }
0xb9: {  	_ =	swait.ge [sflag:s11], $0x7D  }
0xba: {  	s16 =	simm.s32 @!p0 $0x10;
	s13 =	sadd.s32 $0x1, s13;
	[sflag:s11] =	ssyncset.done $0x0  }
0xbb: {  	s17 =	simm.s32 @!p0 $0x1C02;
	p1 =	sne.s32 s13, s6;
	[sflag:s11] =	ssyncadd.s32 $0xFFFFFF83  }
0xbc: {  	s15 =	simm.s32 @!p0 $0x20;
	s14 =	simm.s32 @!p0 $0x1;
	[bflag:$0x0] =	sbarrier.arrive $0xFFFF  }
0xbd: {  	[hbm:s5@s15], [sflag:s17] =	dma.strided @!p0 [spmem:s12@s16], $0x500, s14, $0x10   }
.Ltmp1:
0xbe: {  	_ = 	snop;
	(pc) =	sbr.rel @p1 .LBB2_1-.Ltmp1, $4  }
0xbf: {  	s14 =	simm.s32 @!p0 $0x2  }
0xc0: {  	_ =	swait.ge @!p0 [sflag:s14], $0x500  }
0xc1: {  	[sflag:s14] =	ssyncset.done @!p0 $0x0  }
0xc2: {  	[sflag:s14] =	ssyncadd.s32 @!p0 $0xFFFFFB00  }
0xc3: {  	_ =	sfence.sel $0x180000  }
0xc4: {  	[bflag:$0x0] =	sbarrier.arrive $0xFFFF  }
0xc5: {  	_ =	strace $0x90000047  }
0xc6: {  	s0 =	sadd.s32 @!p0 $0x100000, s0;
	[bflag:$0x2] =	sbarrier.arrive $0xFFFF  }
0xc7: {  	[sflag:s0] =	ssyncadd.tile.s32 @!p0 $0x1;
	_ =	shalt  }
.Lfunc_end2:
_tile_overlayer_lowered:
.L_overlay_start_2:
0xc8: {  	(tag) =	ssettag $0x2  }
0xc9: {  	s0 =	rddreg [dreg:$0x0];
	s2 =	stileid.u32  }
0xca: {  	s1 =	rddreg [dreg:$0x1];
	p0 =	sne.s32 s2, $0x0  }
0xcb: {  	s3 =	rddreg [dreg:$0x2];
	[bflag:$0x3] =	sbarrier.arrive $0xFFFF;
	s2 =	simm.s32 @!p0 $0x1C02  }
0xcc: {  	[timem:s3], [sflag:s2] =	dma.local @!p0 [hbm:s0], s1  }
0xcd: {  	s0 =	simm.s32 @!p0 $0x2  }
0xce: {  	_ =	swait.ge @!p0 [sflag:s0], s1  }
0xcf: {  	s1 =	ssub.s32 @!p0 $0x0, s1;
	[sflag:s0] =	ssyncset.done @!p0 $0x0  }
0xd0: {  	[sflag:s0] =	ssyncadd.s32 @!p0 s1  }
0xd1: {  	[bflag:$0x3] =	sbarrier.arrive $0xFFFF  }
0xd2: {  	_ =	shalt  }

// kernel: kernel.9.cloned.1.call-start
scs
__scs_entry_jumppad:
0x0: {  	(pc) =	sbr.rel $0x88, $3  }
0x1: {  	(tag) =	ssettag $0x0;
	lr =	simm.s32 $0x1  }
0x2: {  	[smem:$0x3F9B] =	sst lr;
	_ =	strace $0xD0000000  }
0x3: {  	_ = 	snop  }
0x4: {  	_ = 	snop  }
0x5: {  	_ = 	snop  }
0x6: {  	_ = 	snop  }
0x7: {  	_ = 	snop  }
__scs_overlays_trampoline_lowered:
0x8: {  	[smem:$0x3FAA] =	sst s0  }
0x9: {  	[smem:$0x3FAB] =	sst s1  }
0xa: {  	[smem:$0x3FAC] =	sst s2  }
0xb: {  	[smem:$0x3FAD] =	sst s3  }
0xc: {  	[smem:$0x3FAE] =	sst s4  }
0xd: {  	[smem:$0x3FAF] =	sst s5  }
0xe: {  	[smem:$0x3FB0] =	sst s6  }
0xf: {  	[smem:$0x3FB1] =	sst s7  }
0x10: {  	[smem:$0x3FB2] =	sst s8  }
0x11: {  	[smem:$0x3FB3] =	sst s9;
	s0 =	simm.s32 @!p0 $0x0  }
0x12: {  	s1 =	sld [smem:$0x3F99];
	s0 =	simm.s32 @p0 $0x1  }
0x13: {  	[smem:$0x3FB4] =	sst s0;
	s0 =	simm.s32 @!p1 $0x0  }
0x14: {  	s2 =	sld [smem:$0x3F98];
	s0 =	simm.s32 @p1 $0x1  }
0x15: {  	[smem:$0x3FB5] =	sst s0;
	s0 =	simm.s32 @!p2 $0x0  }
0x16: {  	s3 =	sld [smem:$0x3FDB];
	s0 =	simm.s32 @p2 $0x1  }
0x17: {  	s4 =	simm.s32 $0x1BF5;
	[smem:$0x3FB7] =	sst s0  }
0x18: {  	s0 =	sld [smem:$0x3F9A];
	_ =	swait.ge [sflag:s4], $0x0  }
0x19: {  	s7 =	sld [smem:$0x3F9B]  }
0x1a: {  	s8 =	sadd.s32 $0xFFFFE003, lr  }
0x1b: {  	s9 =	sadd.s32 $0xFFFFFEF7, lr;
	s5 =	simm.s32 $0xFFFFFFFF;
	p2 =	slt.u32 s8, $0xFFFFF086  }
0x1c: {  	p1 =	slt.u32 s9, $0xF7A;
	s5 =	simm.s32 @!p2 $0x0  }
0x1d: {  	s5 =	simm.s32 @p1 $0x1;
	p0 =	seq.s32 s7, s2  }
0x1e: {  	s7 =	smul.u32 @!p0 $0xF7A, s2;
	p2 =	seq.s32 @!p0 s5, $0x0  }
0x1f: {  	s9 =	smul.u32 $0xF7A, s1;
	s8 =	simm.s32 @!p0 $0x1BF5;
	p2 =	por !p2, p0  }
0x20: {  	[sflag:s8] =	ssyncset.s32 @!p0 $0xFFFFF086;
	s6 =	sadd.s32 @!p0 s3, s7;
	s7 =	simm.s32 @!p0 $0x108  }
0x21: {  	s3 =	sadd.s32 s3, s9;
	s6 =	sadd.s32 @!p0 $0x88, s6;
	s7 =	simm.s32 @p2 $0x1082  }
0x22: {  	[simem:s7], [sflag:s8] =	dma.local @!p0 [hbm:s6], $0xF7A  }
0x23: {  	s9 =	sor.u32 $0xD0000000, s2;
	s6 =	simm.s32 $0x108;
	_ =	swait.ge @!p0 [sflag:s8], $0x0  }
0x24: {  	s3 =	sadd.s32 $0x88, s3;
	s6 =	simm.s32 @!p1 $0x1082;
	[sflag:s4] =	ssyncset.s32 $0xFFFFF086  }
0x25: {  	[simem:s6], [sflag:s4] =	dma.local [hbm:s3], $0xF7A  }
0x26: {  	[smem:$0x3F9B] =	sst s1;
	(tag) =	ssettag s2;
	_ =	strace s9  }
0x27: {  	s1 =	sld [smem:$0x3FAB]  }
0x28: {  	s2 =	sld [smem:$0x3FAC]  }
0x29: {  	s4 =	sld [smem:$0x3FAE]  }
0x2a: {  	p0 =	seq.s32 s5, $0x0;
	s5 =	sld [smem:$0x3FAF]  }
0x2b: {  	s6 =	sld [smem:$0x3FB0]  }
0x2c: {  	s7 =	sld [smem:$0x3FB1]  }
0x2d: {  	s3 =	simm.s32 $0x108;
	s8 =	sld [smem:$0x3FB2]  }
0x2e: {  	s3 =	simm.s32 @!p0 $0x1082;
	s9 =	sld [smem:$0x3FB3]  }
0x2f: {  	lr =	sadd.s32 s0, s3;
	s0 =	sld [smem:$0x3FAA]  }
0x30: {  	s3 =	sld [smem:$0x3FAD]  }
0x31: {  	[smem:$0x3FB6] =	sst s10  }
0x32: {  	s10 =	sld [smem:$0x3FB4];
	_ =	sdelay $0x3  }
0x33: {  	p0 =	seq.s32 s10, $0x1;
	s10 =	sld [smem:$0x3FB6];
	_ =	sdelay $0x3  }
0x34: {  	[smem:$0x3FB6] =	sst s10  }
0x35: {  	s10 =	sld [smem:$0x3FB5];
	_ =	sdelay $0x3  }
0x36: {  	p1 =	seq.s32 s10, $0x1;
	s10 =	sld [smem:$0x3FB6];
	_ =	sdelay $0x3  }
0x37: {  	[smem:$0x3FB6] =	sst s10  }
0x38: {  	s10 =	sld [smem:$0x3FB7]  }
0x39: {  	_ = 	snop;
	(pc) =	sbr.ind lr, $3  }
0x3a: {  	_ = 	snop  }
0x3b: {  	_ = 	snop  }
0x3c: {  	p2 =	seq.s32 s10, $0x1;
	s10 =	sld [smem:$0x3FB6]  }
0x3d: {  	_ =	shalt  }
0x3e: {  	_ =	shalt  }
0x3f: {  	_ =	shalt  }
0x40: {  	_ =	shalt  }
0x41: {  	_ =	shalt  }
0x42: {  	_ =	shalt  }
0x43: {  	_ =	shalt  }
0x44: {  	_ =	shalt  }
0x45: {  	_ =	shalt  }
0x46: {  	_ =	shalt  }
0x47: {  	_ =	shalt  }
0x48: {  	_ =	shalt  }
0x49: {  	_ =	shalt  }
0x4a: {  	_ =	shalt  }
0x4b: {  	_ =	shalt  }
0x4c: {  	_ =	shalt  }
0x4d: {  	_ =	shalt  }
0x4e: {  	_ =	shalt  }
0x4f: {  	_ =	shalt  }
0x50: {  	_ =	shalt  }
0x51: {  	_ =	shalt  }
0x52: {  	_ =	shalt  }
0x53: {  	_ =	shalt  }
0x54: {  	_ =	shalt  }
0x55: {  	_ =	shalt  }
0x56: {  	_ =	shalt  }
0x57: {  	_ =	shalt  }
0x58: {  	_ =	shalt  }
0x59: {  	_ =	shalt  }
0x5a: {  	_ =	shalt  }
0x5b: {  	_ =	shalt  }
0x5c: {  	_ =	shalt  }
0x5d: {  	_ =	shalt  }
0x5e: {  	_ =	shalt  }
0x5f: {  	_ =	shalt  }
0x60: {  	_ =	shalt  }
0x61: {  	_ =	shalt  }
0x62: {  	_ =	shalt  }
0x63: {  	_ =	shalt  }
0x64: {  	_ =	shalt  }
0x65: {  	_ =	shalt  }
0x66: {  	_ =	shalt  }
0x67: {  	_ =	shalt  }
0x68: {  	_ =	shalt  }
0x69: {  	_ =	shalt  }
0x6a: {  	_ =	shalt  }
0x6b: {  	_ =	shalt  }
0x6c: {  	_ =	shalt  }
0x6d: {  	_ =	shalt  }
0x6e: {  	_ =	shalt  }
0x6f: {  	_ =	shalt  }
0x70: {  	_ =	shalt  }
0x71: {  	_ =	shalt  }
0x72: {  	_ =	shalt  }
0x73: {  	_ =	shalt  }
0x74: {  	_ =	shalt  }
0x75: {  	_ =	shalt  }
0x76: {  	_ =	shalt  }
0x77: {  	_ =	shalt  }
0x78: {  	_ =	shalt  }
0x79: {  	_ =	shalt  }
0x7a: {  	_ =	shalt  }
0x7b: {  	_ =	shalt  }
0x7c: {  	_ =	shalt  }
0x7d: {  	_ =	shalt  }
0x7e: {  	_ =	shalt  }
0x7f: {  	_ =	shalt  }
0x80: {  	_ =	shalt  }
0x81: {  	_ =	shalt  }
0x82: {  	_ =	shalt  }
0x83: {  	_ =	shalt  }
0x84: {  	_ =	shalt  }
0x85: {  	_ =	shalt  }
0x86: {  	_ =	shalt  }
0x87: {  	_ =	shalt  }
.Lfunc_end0:
.L_simem_size_0:
called_computation.1_lowered:
.L_overlay_start_0:
0x88: {  	s2 =	sld [smem:$0x3FD9]  }
0x89: {  	s3 =	sld [smem:$0x3FFE];
	_ =	sdelay $0x1  }
0x8a: {  	s1 =	srdreg.scid  }
0x8b: {  	s0 =	sand.u32 $0x1, s1  }
0x8c: {  	s17 =	sshll.u32 s0, $0xA;
	s2 =	sadd.s32 s3, s2  }
0x8d: {  	s2 =	sadd.s32 s2, s17  }
0x8e: {  	[smem:$0x3FC2] =	sst s2  }
0x8f: {  	_ = 	snop  }
0x90: {  	s2 =	sld [smem:$0x3FD0];
	(tm) =	ssettm $0x1  }
0x91: {  	s18 =	sld [smem:$0x3FFB];
	_ =	sdelay $0x3  }
0x92: {  	_ =	strace s18  }
0x93: {  	s3 =	sld [smem:$0x3FFC];
	_ =	sdelay $0x3  }
0x94: {  	_ =	strace s3  }
0x95: {  	s3 =	sld [smem:$0x3FFD];
	_ =	sdelay $0x3  }
0x96: {  	_ =	strace s3  }
0x97: {  	_ =	strace $0x8FFFFFFF  }
0x98: {  	s19 =	sld [smem:$0x3FDB];
	_ =	sdelay $0x1  }
0x99: {  	s4 =	simm.s32 $_scs_section_size  }
0x9a: {  	s5 =	simm.s32 $_size__tile_overlayer_lowered;
	s6 =	simm.s32 $_tile_overlayer_lowered  }
0x9b: {  	s22 =	simm.s32 $0x1BFF;
	s21 =	sshll.u32 s6, $0x1;
	s3 =	sadd.s32 s4, s19  }
0x9c: {  	s7 =	simm.s32 $0x0;
	s20 =	sshll.u32 s5, $0x1;
	s5 =	sadd.s32 s21, s3  }
0x9d: {  	[timem:s7], [sflag:s22] =	dma.local [hbm:s5], s20  }
0x9e: {  	_ =	swait.ge [sflag:s22], s20  }
0x9f: {  	s4 =	ssub.s32 $0x0, s20;
	[sflag:s22] =	ssyncset.done $0x0  }
0xa0: {  	[sflag:s22] =	ssyncadd.s32 s4;
	_ =	sdelay $0x1  }
0xa1: {  	s23 =	simm.s32 $0x1B8B  }
0xa2: {  	_ =	swait.ge [sflag:s23], $0x1  }
0xa3: {  	[sflag:s23] =	ssyncset.done $0x0  }
0xa4: {  	s25 =	simm.s32 $0x1B8E;
	s24 =	sld [smem:$0x3FFE];
	[sflag:s23] =	ssyncadd.s32 $0xFFFFFFFF  }
0xa5: {  	s26 =	simm.s32 $execute0_lowered;
	[smem:$0x3FD2] =	sst s25  }
0xa6: {  	s5 =	sshll.u32 s26, $0x1;
	_ =	strace $0x80000049;
	[dreg:$0x1] =	wrdreg $0xFFFFFFFF  }
0xa7: {  	s28 =	simm.s32 $_size_execute0_lowered;
	s3 =	sadd.s32 s3, s5;
	[dreg:$0x0] =	wrdreg $0x0  }
0xa8: {  	s5 =	sshll.u32 s28, $0x1;
	[dreg:$0x2] =	wrdreg s3  }
0xa9: {  	[dreg:$0x3] =	wrdreg s5  }
0xaa: {  	[dreg:$0x4] =	wrdreg $0xC0  }
0xab: {  	_ =	task [dreg:s7], $0x5FFFF  }
0xac: {  	[dreg:$0x1] =	wrdreg $0xFFFFFFFF  }
0xad: {  	[dreg:$0x0] =	wrdreg $0x60  }
0xae: {  	[dreg:$0x2] =	wrdreg s2  }
0xaf: {  	[dreg:$0x3] =	wrdreg s24  }
0xb0: {  	[dreg:$0x4] =	wrdreg $0xA8000  }
0xb1: {  	[dreg:$0x5] =	wrdreg $0x9  }
0xb2: {  	_ =	task.clear_ibuf [dreg:s7], $0x6FFFF;
	_ =	strace $0x90000049  }
0xb3: {  	s29 =	simm.s32 $0x9;
	_ =	strace $0x8000004B  }
0xb4: {  	_ =	swait.ge [sflag:s29], $0x1  }
0xb5: {  	[sflag:s29] =	ssyncadd.s32 $0xFFFFFFFF  }
0xb6: {  	_ =	strace $0x9000004B  }
0xb7: {  	_ =	sfence  }
0xb8: {  	s30 =	sld [smem:$0x0];
	_ =	sdelay $0x2  }
0xb9: {  	s31 =	sshll.u32 s1, $0xD;
	s1 =	sshrl.u32 s1, $0x2  }
0xba: {  	s3 =	sand.u32 $0x4000, s31;
	s1 =	sadd.s32 s1, s30  }
0xbb: {  	s0 =	sor.u32 s3, s0;
	s1 =	sshll.u32 s1, $0x11  }
0xbc: {  	s0 =	sor.u32 s1, s0  }
0xbd: {  	s0 =	sadd.s32 $0x8F2B, s0  }
0xbe: {  	[sflag:s0] =	ssyncadd.remote.s32 $0x1  }
0xbf: {  	_ =	sfence.sel $0xFFFF  }
0xc0: {  	[dreg:$0x0] =	wrdreg $0xFFFFFFFF;
	(pc) =	sbr.abs _section_cstart, $3  }
0xc1: {  	[dreg:$0x1] =	wrdreg $0xFFFFFFFF  }
0xc2: {  	_ =	task.clear_ibuf [dreg:s7], $0x2FFFF;
	_ =	strace $0x9FFFFFFF  }
0xc3: {  	(tm) =	ssettm $0x7FFFFFFF  }
tec
execute0_lowered:
.L_overlay_start_1:
0x0: {  	(tag) =	ssettag $0x1  }
0x1: {  	s0 =	srdreg.scid;
	s1 =	rddreg [dreg:$0x0]  }
0x2: {  	s24 =	stileid.u32;
	s5 =	rddreg [dreg:$0x1]  }
0x3: {  	s17 =	simm.s32 $0x5;
	s18 =	simm.s32 $0x1400;
	s19 =	simm.s32 $0x7D  }
0x4: {  	s20 =	simm.s32 $0x80;
	s21 =	simm.s32 $0x6800;
	s22 =	simm.s32 $0x2800  }
0x5: {  	s23 =	simm.s32 $0x1;
	s28 =	simm.s32 $0x2700;
	s8 =	smul.u32 $0x14000, s24  }
0x6: {  	s29 =	simm.s32 $0x2780;
	s2 =	sand.u32 $0x1, s0;
	s9 =	smul.u32 $0x50000, s24  }
0x7: {  	s30 =	simm.s32 $0x0;
	s3 =	sshll.u32 s2, $0x4;
	s7 =	smul.u32 $0x140000, s2  }
0x8: {  	s2 =	ssub.s32 $0x2, s2;
	s4 =	sor.u32 s24, s3;
	s3 =	rddreg [dreg:$0x2]  }
0x9: {  	s26 =	sshrl.u32 s2, $0x1;
	s31 =	sshrl.u32 s9, $0x2;
	s24 =	simm.s32 $0x3  }
0xa: {  	s6 =	smul.u32 $0x2800, s4;
	s4 =	simm.s32 $0x0;
	s25 =	sadd.s32 s8, s7  }
0xb: {  	s2 =	ssub.s32 s2, s26;
	s26 =	simm.s32 $0x4;
	[smem:$0x7FF] =	sst s4  }
0xc: {  	s16 =	smax.u32 s2, $0x1;
	_ =	strace $0x8000004A;
	s6 =	sshrl.u32 s6, $0x3  }
0xd: {  	s14 =	sadd.s32 s6, s5;
	s6 =	sshrl.u32 s25, $0x3;
	s25 =	simm.s32 $0x2  }
0xe: {  	s15 =	sadd.s32 s6, s5;
	s5 =	sadd.s32 s31, s3;
	s6 =	sadd.s32 $0x2000, s14  }
0xf: {  	s7 =	sadd.s32 $0xC000, s14;
	s13 =	sadd.s32 $0x2280, s14;
	s14 =	sadd.s32 $0xC280, s14  }
0x10: {  	s8 =	sadd.s32 $0x3E80, s5;
	s9 =	sadd.s32 $0x7D00, s5;
	s10 =	sadd.s32 $0xBB80, s5  }
0x11: {  	v0 =	vimm.f32 $0.0e+00;
	s11 =	sadd.s32 $0xFA00, s5;
	s12 =	sadd.s32 $0x13880, s5;
	s15 =	sadd.s32 $0x16000, s15  }
.LBB2_1:
0x12: {  	[tilespmem:s4], [sflag:$0x5] =	stream.linear.gather [hbm4b:s6+s4], $0x1400, $0x38;
	[tilespmem:$0x1E800] =	vst v63  }
0x13: {  	_ =	swait.ge [sflag:s17], $0x1400  }
0x14: {  	[sflag:s17] =	ssyncset.done $0x0  }
0x15: {  	[sflag:s17] =	ssyncadd.s32 $0xFFFFEC00  }
0x16: {  	[tilespmem:s18], [sflag:$0x5] =	stream.linear.gather [hbm4b:s7+s4], $0x1400, $0x38;
	[tilespmem:$0x1E800] =	vst v63  }
0x17: {  	_ =	swait.ge [sflag:s17], $0x1400  }
0x18: {  	[sflag:s17] =	ssyncset.done $0x0  }
0x19: {  	s31 =	simm.s32 $0x0;
	s2 =	simm.s32 $0x200;
	[sflag:s17] =	ssyncadd.s32 $0xFFFFEC00  }
0x1a: {  	[tilespmem:s21], [sflag:$0x2] =	stream.indirect.gather [hbm4b:s1+s19], $0x80, s20, s19, $0xb8;
	[tilespmem:$0x1E800] =	vst v63  }
.LBB2_2:
0x1b: {  	p0 =	sne.s32 s2, $0xF800;
	[tilespmem:s31+$0x2870] =	vst v0  }
0x1c: {  	[tilespmem:s31+$0x2800] =	vst v0  }
0x1d: {  	[tilespmem:s31+$0x2810] =	vst v0  }
.Ltmp0:
0x1e: {  	[tilespmem:s31+$0x2820] =	vst v0;
	(pc) =	sbr.rel @p0 .LBB2_2-.Ltmp0, $4  }
0x1f: {  	[tilespmem:s31+$0x2830] =	vst v0  }
0x20: {  	[tilespmem:s31+$0x2840] =	vst v0  }
0x21: {  	[tilespmem:s31+$0x2850] =	vst v0  }
0x22: {  	[tilespmem:s31+$0x2860] =	vst v0;
	s31 =	sshra.s32 s2, $0x2;
	s2 =	sadd.s32 $0x200, s2  }
0x23: {  	[tilespmem:s31+$0x2870] =	vst v0  }
0x24: {  	[tilespmem:s31+$0x2800] =	vst v0  }
0x25: {  	[tilespmem:s31+$0x2810] =	vst v0  }
0x26: {  	[tilespmem:s31+$0x2820] =	vst v0  }
0x27: {  	[tilespmem:s31+$0x2830] =	vst v0  }
0x28: {  	[tilespmem:s31+$0x2840] =	vst v0  }
0x29: {  	[tilespmem:s31+$0x2850] =	vst v0  }
0x2a: {  	[tilespmem:s31+$0x2860] =	vst v0  }
0x2b: {  	[spmem:s5] =	stream.linear.scatter [tilespmem:s22], [sflag:$0x5], $0x3E80, $0x38;
	[tilespmem:$0x1E800] =	vst v63  }
0x2c: {  	_ =	swait.ge [sflag:s17], $0x3E80  }
0x2d: {  	[sflag:s17] =	ssyncset.done $0x0  }
0x2e: {  	[sflag:s17] =	ssyncadd.s32 $0xFFFFC180  }
0x2f: {  	[spmem:s8] =	stream.linear.scatter [tilespmem:s22], [sflag:$0x5], $0x3E80, $0x38;
	[tilespmem:$0x1E800] =	vst v63  }
0x30: {  	_ =	swait.ge [sflag:s17], $0x3E80  }
0x31: {  	[sflag:s17] =	ssyncset.done $0x0  }
0x32: {  	[sflag:s17] =	ssyncadd.s32 $0xFFFFC180  }
0x33: {  	[spmem:s9] =	stream.linear.scatter [tilespmem:s22], [sflag:$0x5], $0x3E80, $0x38;
	[tilespmem:$0x1E800] =	vst v63  }
0x34: {  	_ =	swait.ge [sflag:s17], $0x3E80  }
0x35: {  	[sflag:s17] =	ssyncset.done $0x0  }
0x36: {  	[sflag:s17] =	ssyncadd.s32 $0xFFFFC180  }
0x37: {  	[spmem:s10] =	stream.linear.scatter [tilespmem:s22], [sflag:$0x5], $0x3E80, $0x38;
	[tilespmem:$0x1E800] =	vst v63  }
0x38: {  	_ =	swait.ge [sflag:s17], $0x3E80  }
0x39: {  	[sflag:s17] =	ssyncset.done $0x0  }
0x3a: {  	[sflag:s17] =	ssyncadd.s32 $0xFFFFC180  }
0x3b: {  	[spmem:s11] =	stream.linear.scatter [tilespmem:s22], [sflag:$0x5], $0x3E80, $0x38;
	[tilespmem:$0x1E800] =	vst v63  }
0x3c: {  	_ =	swait.ge [sflag:s17], $0x3E80  }
0x3d: {  	[sflag:s17] =	ssyncset.done $0x0  }
0x3e: {  	[sflag:s17] =	ssyncadd.s32 $0xFFFFC180  }
0x3f: {  	[spmem:s12] =	stream.linear.scatter [tilespmem:s22], [sflag:$0x5], $0x780, $0x38;
	[tilespmem:$0x1E800] =	vst v63  }
0x40: {  	_ =	swait.ge [sflag:s17], $0x780  }
0x41: {  	[sflag:s17] =	ssyncset.done $0x0  }
0x42: {  	s2 =	simm.s32 $0x0;
	[sflag:s17] =	ssyncadd.s32 $0xFFFFF880  }
0x43: {  	[tilespmem:s22], [sflag:$0x1] =	stream.indirect.gather [hbm4b:s1+s19], $0x80, s2, s19, $0xb8;
	[tilespmem:$0x1E800] =	vst v63  }
0x44: {  	[bflag:$0x0] =	sbarrier.arrive $0xFFFF  }
0x45: {  	_ =	swait.ge [sflag:s23], $0x3E80  }
0x46: {  	[sflag:s23] =	ssyncset.done $0x0  }
0x47: {  	s0 =	simm.s32 $0x1400;
	[sflag:s23] =	ssyncadd.s32 $0xFFFFC180  }
0x48: {  	[spmem:s3] =	stream.indirect.scatter.add.f32 [tilespmem:s22], [sflag:$0x3], $0x80, s0, s19, $0xb8;
	[tilespmem:$0x1E800] =	vst v63  }
0x49: {  	_ =	swait.ge [sflag:s24], $0x3E80  }
0x4a: {  	[sflag:s24] =	ssyncset.done $0x0  }
0x4b: {  	s0 =	simm.s32 $0x100;
	[sflag:s24] =	ssyncadd.s32 $0xFFFFC180  }
0x4c: {  	[tilespmem:s22], [sflag:$0x1] =	stream.indirect.gather [hbm4b:s1+s19], $0x80, s0, s19, $0xb8;
	[tilespmem:$0x1E800] =	vst v63  }
0x4d: {  	_ =	swait.ge [sflag:s25], $0x3E80  }
0x4e: {  	[sflag:s25] =	ssyncset.done $0x0  }
0x4f: {  	s0 =	simm.s32 $0x1480;
	[sflag:s25] =	ssyncadd.s32 $0xFFFFC180  }
0x50: {  	[spmem:s3] =	stream.indirect.scatter.add.f32 [tilespmem:s21], [sflag:$0x4], $0x80, s0, s19, $0xb8;
	[tilespmem:$0x1E800] =	vst v63  }
0x51: {  	_ =	swait.ge [sflag:s26], $0x3E80  }
0x52: {  	[sflag:s26] =	ssyncset.done $0x0  }
0x53: {  	s31 =	simm.s32 $0x400;
	s2 =	simm.s32 $0x180;
	[sflag:s26] =	ssyncadd.s32 $0xFFFFC180  }
.LBB2_4:
0x54: {  	[tilespmem:s21], [sflag:$0x2] =	stream.indirect.gather [hbm4b:s1+s19], $0x80, s2, s19, $0xb8;
	[tilespmem:$0x1E800] =	vst v63  }
0x55: {  	s2 =	smov.u32 s31  }
0x56: {  	p0 =	sne.s32 s31, $0x4800;
	s31 =	sadd.s32 $0x400, s31;
	_ =	swait.ge [sflag:s23], $0x3E80  }
0x57: {  	s2 =	sshra.s32 s2, $0x2;
	[sflag:s23] =	ssyncset.done $0x0  }
0x58: {  	s0 =	sadd.s32 $0x1400, s2;
	[sflag:s23] =	ssyncadd.s32 $0xFFFFC180  }
0x59: {  	[spmem:s3] =	stream.indirect.scatter.add.f32 [tilespmem:s22], [sflag:$0x3], $0x80, s0, s19, $0xb8;
	[tilespmem:$0x1E800] =	vst v63  }
0x5a: {  	_ =	swait.ge [sflag:s24], $0x3E80  }
0x5b: {  	[sflag:s24] =	ssyncset.done $0x0  }
0x5c: {  	s0 =	sadd.s32 $0x100, s2;
	[sflag:s24] =	ssyncadd.s32 $0xFFFFC180  }
0x5d: {  	[tilespmem:s22], [sflag:$0x1] =	stream.indirect.gather [hbm4b:s1+s19], $0x80, s0, s19, $0xb8;
	[tilespmem:$0x1E800] =	vst v63  }
0x5e: {  	_ =	swait.ge [sflag:s25], $0x3E80  }
0x5f: {  	[sflag:s25] =	ssyncset.done $0x0  }
.Ltmp1:
0x60: {  	s0 =	sadd.s32 $0x1480, s2;
	[sflag:s25] =	ssyncadd.s32 $0xFFFFC180;
	(pc) =	sbr.rel @p0 .LBB2_4-.Ltmp1, $4  }
0x61: {  	[spmem:s3] =	stream.indirect.scatter.add.f32 [tilespmem:s21], [sflag:$0x4], $0x80, s0, s19, $0xb8;
	[tilespmem:$0x1E800] =	vst v63  }
0x62: {  	_ =	swait.ge [sflag:s26], $0x3E80  }
0x63: {  	[sflag:s26] =	ssyncset.done $0x0  }
0x64: {  	s2 =	sadd.s32 $0x180, s2;
	[sflag:s26] =	ssyncadd.s32 $0xFFFFC180  }
0x65: {  	[tilespmem:s21], [sflag:$0x2] =	stream.indirect.gather [hbm4b:s1+s19], $0x80, s2, s19, $0xb8;
	[tilespmem:$0x1E800] =	vst v63  }
0x66: {  	_ =	swait.ge [sflag:s23], $0x3E80  }
0x67: {  	[sflag:s23] =	ssyncset.done $0x0  }
0x68: {  	[sflag:s23] =	ssyncadd.s32 $0xFFFFC180  }
0x69: {  	[spmem:s3] =	stream.indirect.scatter.add.f32 [tilespmem:s22], [sflag:$0x3], $0x80, s28, s19, $0xb8;
	[tilespmem:$0x1E800] =	vst v63  }
0x6a: {  	_ =	swait.ge [sflag:s24], $0x3E80  }
0x6b: {  	[sflag:s24] =	ssyncset.done $0x0  }
0x6c: {  	[sflag:s24] =	ssyncadd.s32 $0xFFFFC180  }
0x6d: {  	_ =	swait.ge [sflag:s25], $0x3E80  }
0x6e: {  	[sflag:s25] =	ssyncset.done $0x0  }
0x6f: {  	[sflag:s25] =	ssyncadd.s32 $0xFFFFC180  }
0x70: {  	[spmem:s3] =	stream.indirect.scatter.add.f32 [tilespmem:s21], [sflag:$0x4], $0x80, s29, s19, $0xb8;
	[tilespmem:$0x1E800] =	vst v63  }
0x71: {  	_ =	swait.ge [sflag:s26], $0x3E80  }
0x72: {  	[sflag:s26] =	ssyncset.done $0x0  }
0x73: {  	s0 =	simm.s32 $0x0;
	[sflag:s26] =	ssyncadd.s32 $0xFFFFC180  }
0x74: {  	[tilespmem:s0], [sflag:$0x5] =	stream.linear.gather [hbm4b:s13+s0], $0x1400, $0x38;
	[tilespmem:$0x1E800] =	vst v63  }
0x75: {  	_ =	swait.ge [sflag:s17], $0x1400  }
0x76: {  	[sflag:s17] =	ssyncset.done $0x0  }
0x77: {  	[sflag:s17] =	ssyncadd.s32 $0xFFFFEC00  }
0x78: {  	[tilespmem:s18], [sflag:$0x5] =	stream.linear.gather [hbm4b:s14+s0], $0x1400, $0x38;
	[tilespmem:$0x1E800] =	vst v63  }
0x79: {  	_ =	swait.ge [sflag:s17], $0x1400  }
0x7a: {  	[sflag:s17] =	ssyncset.done $0x0  }
0x7b: {  	[sflag:s17] =	ssyncadd.s32 $0xFFFFEC00  }
0x7c: {  	[tilespmem:s22], [sflag:$0x1] =	stream.indirect.gather [hbm4b:s1+s19], $0x80, s0, s19, $0xb8;
	[tilespmem:$0x1E800] =	vst v63  }
0x7d: {  	_ = 	snop  }
0x7e: {  	[tilespmem:s21], [sflag:$0x2] =	stream.indirect.gather [hbm4b:s1+s19], $0x80, s20, s19, $0xb8;
	[tilespmem:$0x1E800] =	vst v63  }
0x7f: {  	_ =	swait.ge [sflag:s23], $0x3E80  }
0x80: {  	[sflag:s23] =	ssyncset.done $0x0  }
0x81: {  	s2 =	simm.s32 $0x1400;
	[sflag:s23] =	ssyncadd.s32 $0xFFFFC180  }
0x82: {  	[spmem:s3] =	stream.indirect.scatter.add.f32 [tilespmem:s22], [sflag:$0x3], $0x80, s2, s19, $0xb8;
	[tilespmem:$0x1E800] =	vst v63  }
0x83: {  	_ =	swait.ge [sflag:s24], $0x3E80  }
0x84: {  	[sflag:s24] =	ssyncset.done $0x0  }
0x85: {  	s2 =	simm.s32 $0x100;
	[sflag:s24] =	ssyncadd.s32 $0xFFFFC180  }
0x86: {  	[tilespmem:s22], [sflag:$0x1] =	stream.indirect.gather [hbm4b:s1+s19], $0x80, s2, s19, $0xb8;
	[tilespmem:$0x1E800] =	vst v63  }
0x87: {  	_ =	swait.ge [sflag:s25], $0x3E80  }
0x88: {  	[sflag:s25] =	ssyncset.done $0x0  }
0x89: {  	s2 =	simm.s32 $0x1480;
	[sflag:s25] =	ssyncadd.s32 $0xFFFFC180  }
0x8a: {  	[spmem:s3] =	stream.indirect.scatter.add.f32 [tilespmem:s21], [sflag:$0x4], $0x80, s2, s19, $0xb8;
	[tilespmem:$0x1E800] =	vst v63  }
0x8b: {  	_ =	swait.ge [sflag:s26], $0x3E80  }
0x8c: {  	[sflag:s26] =	ssyncset.done $0x0  }
0x8d: {  	s31 =	simm.s32 $0x400;
	s2 =	simm.s32 $0x180;
	[sflag:s26] =	ssyncadd.s32 $0xFFFFC180  }
.LBB2_6:
0x8e: {  	[tilespmem:s21], [sflag:$0x2] =	stream.indirect.gather [hbm4b:s1+s19], $0x80, s2, s19, $0xb8;
	[tilespmem:$0x1E800] =	vst v63  }
0x8f: {  	s0 =	smov.u32 s31  }
0x90: {  	p0 =	sne.s32 s31, $0x4800;
	s31 =	sadd.s32 $0x400, s31;
	_ =	swait.ge [sflag:s23], $0x3E80  }
0x91: {  	s0 =	sshra.s32 s0, $0x2;
	[sflag:s23] =	ssyncset.done $0x0  }
0x92: {  	s2 =	sadd.s32 $0x1400, s0;
	[sflag:s23] =	ssyncadd.s32 $0xFFFFC180  }
0x93: {  	[spmem:s3] =	stream.indirect.scatter.add.f32 [tilespmem:s22], [sflag:$0x3], $0x80, s2, s19, $0xb8;
	[tilespmem:$0x1E800] =	vst v63  }
0x94: {  	_ =	swait.ge [sflag:s24], $0x3E80  }
0x95: {  	[sflag:s24] =	ssyncset.done $0x0  }
0x96: {  	s2 =	sadd.s32 $0x100, s0;
	[sflag:s24] =	ssyncadd.s32 $0xFFFFC180  }
0x97: {  	[tilespmem:s22], [sflag:$0x1] =	stream.indirect.gather [hbm4b:s1+s19], $0x80, s2, s19, $0xb8;
	[tilespmem:$0x1E800] =	vst v63  }
0x98: {  	_ =	swait.ge [sflag:s25], $0x3E80  }
0x99: {  	[sflag:s25] =	ssyncset.done $0x0  }
.Ltmp2:
0x9a: {  	s2 =	sadd.s32 $0x1480, s0;
	[sflag:s25] =	ssyncadd.s32 $0xFFFFC180;
	(pc) =	sbr.rel @p0 .LBB2_6-.Ltmp2, $4  }
0x9b: {  	[spmem:s3] =	stream.indirect.scatter.add.f32 [tilespmem:s21], [sflag:$0x4], $0x80, s2, s19, $0xb8;
	[tilespmem:$0x1E800] =	vst v63  }
0x9c: {  	_ =	swait.ge [sflag:s26], $0x3E80  }
0x9d: {  	[sflag:s26] =	ssyncset.done $0x0  }
0x9e: {  	s2 =	sadd.s32 $0x180, s0;
	[sflag:s26] =	ssyncadd.s32 $0xFFFFC180  }
0x9f: {  	[tilespmem:s21], [sflag:$0x2] =	stream.indirect.gather [hbm4b:s1+s19], $0x80, s2, s19, $0xb8;
	[tilespmem:$0x1E800] =	vst v63  }
0xa0: {  	_ =	swait.ge [sflag:s23], $0x3E80  }
0xa1: {  	[sflag:s23] =	ssyncset.done $0x0  }
0xa2: {  	[sflag:s23] =	ssyncadd.s32 $0xFFFFC180  }
0xa3: {  	[spmem:s3] =	stream.indirect.scatter.add.f32 [tilespmem:s22], [sflag:$0x3], $0x80, s28, s19, $0xb8;
	[tilespmem:$0x1E800] =	vst v63  }
0xa4: {  	_ =	swait.ge [sflag:s24], $0x3E80  }
0xa5: {  	[sflag:s24] =	ssyncset.done $0x0  }
0xa6: {  	[sflag:s24] =	ssyncadd.s32 $0xFFFFC180  }
0xa7: {  	_ =	swait.ge [sflag:s25], $0x3E80  }
0xa8: {  	[sflag:s25] =	ssyncset.done $0x0  }
0xa9: {  	[sflag:s25] =	ssyncadd.s32 $0xFFFFC180  }
0xaa: {  	[spmem:s3] =	stream.indirect.scatter.add.f32 [tilespmem:s21], [sflag:$0x4], $0x80, s29, s19, $0xb8;
	[tilespmem:$0x1E800] =	vst v63  }
0xab: {  	s0 =	stileid.u32;
	_ =	swait.ge [sflag:s26], $0x3E80  }
0xac: {  	s31 =	sshrl.u32 s5, $0x3;
	s30 =	sadd.s32 $0x1, s30;
	[sflag:s26] =	ssyncset.done $0x0  }
0xad: {  	s0 =	sshll.u32 s0, $0x6;
	p0 =	sne.s32 s30, s16;
	[sflag:s26] =	ssyncadd.s32 $0xFFFFC180  }
.Ltmp3:
0xae: {  	s0 =	sor.u32 $0x1C05, s0;
	[bflag:$0x0] =	sbarrier.arrive $0xFFFF;
	(pc) =	sbr.rel @p0 .LBB2_1-.Ltmp3, $4  }
0xaf: {  	[hbm:s15], [sflag:s0] =	dma.local [spmem:s31], $0x2800  }
0xb0: {  	_ =	swait.ge [sflag:s17], $0x2800  }
0xb1: {  	[sflag:s17] =	ssyncset.done $0x0  }
0xb2: {  	[sflag:s17] =	ssyncadd.s32 $0xFFFFD800  }
0xb3: {  	_ =	sfence.sel $0x180000  }
0xb4: {  	[bflag:$0x0] =	sbarrier.arrive $0xFFFF  }
0xb5: {  	_ =	strace $0x9000004A  }
0xb6: {  	s0 =	stileid.u32;
	[bflag:$0x2] =	sbarrier.arrive $0xFFFF  }
0xb7: {  	p0 =	sne.s32 s0, $0x0;
	s0 =	rddreg [dreg:$0x3]  }
0xb8: {  	s0 =	sadd.s32 @!p0 $0x100000, s0  }
0xb9: {  	[sflag:s0] =	ssyncadd.tile.s32 @!p0 $0x1;
	_ =	shalt  }
.Lfunc_end2:
_tile_overlayer_lowered:
.L_overlay_start_2:
0xba: {  	(tag) =	ssettag $0x2  }
0xbb: {  	s0 =	rddreg [dreg:$0x0];
	s2 =	stileid.u32  }
0xbc: {  	s1 =	rddreg [dreg:$0x1];
	p0 =	sne.s32 s2, $0x0  }
0xbd: {  	s3 =	rddreg [dreg:$0x2];
	[bflag:$0x3] =	sbarrier.arrive $0xFFFF;
	s2 =	simm.s32 @!p0 $0x1C05  }
0xbe: {  	[timem:s3], [sflag:s2] =	dma.local @!p0 [hbm:s0], s1  }
0xbf: {  	s0 =	simm.s32 @!p0 $0x5  }
0xc0: {  	_ =	swait.ge @!p0 [sflag:s0], s1  }
0xc1: {  	s1 =	ssub.s32 @!p0 $0x0, s1;
	[sflag:s0] =	ssyncset.done @!p0 $0x0  }
0xc2: {  	[sflag:s0] =	ssyncadd.s32 @!p0 s1  }
0xc3: {  	[bflag:$0x3] =	sbarrier.arrive $0xFFFF  }
0xc4: {  	_ =	shalt  }

</sc_bundles>
